<compile_context>
chip_gen: v7x
topology: tpu7x:2x2x1
jax: 0.10.2.dev20260603
libtpu: 0.0.44.dev20260713+nightly
codegen_flags: <defaults>
</compile_context>

<pallas_src>
import functools

import jax
import jax.numpy as jnp
from jax import lax
from jax.experimental import pallas as pl
from jax.experimental.pallas import tpu as pltpu
from jax.experimental.pallas import tpu_sc as plsc

N = 2048
D = 1024
F = 512
E = 64
FS = 512
K = 2
TM = 128
NT = (N * K) // TM + E
NP = NT * TM


def _router_dispatch_body(x_ref, wg_ref, w_ref, pos_ref, texp_ref, tvalid_ref,
                          oh_ref):
    x = x_ref[...]
    logits = jnp.dot(x, wg_ref[...], preferred_element_type=jnp.float32)
    m = jnp.max(logits, axis=1, keepdims=True)
    p = jnp.exp(logits - m)
    p = p / jnp.sum(p, axis=1, keepdims=True)
    eidx = lax.broadcasted_iota(jnp.int32, (N, E), 1)
    m1 = jnp.max(p, axis=1, keepdims=True)
    i1 = jnp.min(jnp.where(p == m1, eidx, E), axis=1, keepdims=True)
    p2 = jnp.where(eidx == i1, -1.0, p)
    m2 = jnp.max(p2, axis=1, keepdims=True)
    i2 = jnp.min(jnp.where(p2 == m2, eidx, E), axis=1, keepdims=True)
    s = m1 + m2
    w_ref[...] = jnp.concatenate([m1 / s, m2 / s], axis=1)

    e_all = jnp.concatenate([i1, i2], axis=0)
    oh = (e_all == lax.broadcasted_iota(jnp.int32, (K * N, E), 1))
    oh = oh.astype(jnp.float32)
    oh_ref[...] = oh
    counts = jnp.sum(oh, axis=0, keepdims=True)
    n_tiles = jnp.floor((counts + (TM - 1.0)) * (1.0 / TM))
    triu = (lax.broadcasted_iota(jnp.int32, (E, E), 0)
            < lax.broadcasted_iota(jnp.int32, (E, E), 1)).astype(jnp.float32)
    tile_start = jnp.dot(n_tiles, triu, preferred_element_type=jnp.float32)
    addend = tile_start * float(TM) - 1.0

    tri = (lax.broadcasted_iota(jnp.int32, (TM, TM), 0)
           >= lax.broadcasted_iota(jnp.int32, (TM, TM), 1)).astype(jnp.float32)

    def body(b, prefix):
        blk = oh_ref[pl.ds(b * TM, TM), :]
        c = jnp.dot(tri, blk, preferred_element_type=jnp.float32) + prefix
        posb = jnp.sum(blk * (c + addend), axis=1, keepdims=True)
        pos_ref[pl.ds(b * TM, TM), :] = posb.astype(jnp.int32)
        return prefix + jnp.sum(blk, axis=0, keepdims=True)

    lax.fori_loop(0, (K * N) // TM, body, jnp.zeros((1, E), jnp.float32))

    t_iota = lax.broadcasted_iota(jnp.int32, (TM, E), 0).astype(jnp.float32)
    texp = jnp.sum((tile_start <= t_iota).astype(jnp.float32),
                   axis=1, keepdims=True) - 1.0
    texp_ref[...] = jnp.maximum(texp, 0.0).astype(jnp.int32)
    total = jnp.sum(n_tiles, axis=1, keepdims=True)
    tvalid_ref[...] = (t_iota[:, 0:1] < total).astype(jnp.int32)


def _router_dispatch(x, w_gate):
    return pl.pallas_call(
        _router_dispatch_body,
        out_shape=(
            jax.ShapeDtypeStruct((N, K), jnp.float32),
            jax.ShapeDtypeStruct((K * N, 1), jnp.int32),
            jax.ShapeDtypeStruct((TM, 1), jnp.int32),
            jax.ShapeDtypeStruct((TM, 1), jnp.int32),
        ),
        scratch_shapes=[pltpu.VMEM((K * N, E), jnp.float32)],
    )(x, w_gate)


def _make_sc_mesh():
    return plsc.VectorSubcoreMesh(core_axis_name="c", subcore_axis_name="s")


def _sc_scatter(x, pos):
    mesh = _make_sc_mesh()
    nw = mesh.num_cores * mesh.num_subcores
    chunk = N // nw

    @functools.partial(
        pl.kernel,
        out_type=jax.ShapeDtypeStruct((NP, D), jnp.float32),
        mesh=mesh,
        scratch_types=[
            pltpu.VMEM((chunk,), jnp.int32),
            pltpu.VMEM((chunk,), jnp.int32),
            pltpu.VMEM((chunk, D), jnp.float32),
            pltpu.SemaphoreType.DMA,
        ],
    )
    def body(x_hbm, pos_hbm, out_hbm, idx0_v, idx1_v, rows_v, sem):
        wid = lax.axis_index("s") * mesh.num_cores + lax.axis_index("c")
        base = wid * chunk
        pltpu.sync_copy(x_hbm.at[pl.ds(base, chunk)], rows_v)
        pltpu.sync_copy(pos_hbm.at[pl.ds(base, chunk)], idx0_v)
        pltpu.sync_copy(pos_hbm.at[pl.ds(N + base, chunk)], idx1_v)
        c0 = pltpu.async_copy(rows_v, out_hbm.at[idx0_v], sem)
        c1 = pltpu.async_copy(rows_v, out_hbm.at[idx1_v], sem)
        c0.wait()
        c1.wait()

    return body(x, pos)


def _sc_gather(y, pos):
    mesh = _make_sc_mesh()
    nw = mesh.num_cores * mesh.num_subcores
    chunk = N // nw

    @functools.partial(
        pl.kernel,
        out_type=(jax.ShapeDtypeStruct((N, D), jnp.float32),
                  jax.ShapeDtypeStruct((N, D), jnp.float32)),
        mesh=mesh,
        scratch_types=[
            pltpu.VMEM((chunk,), jnp.int32),
            pltpu.VMEM((chunk, D), jnp.float32),
            pltpu.SemaphoreType.DMA,
        ],
    )
    def body(y_hbm, pos_hbm, g0_hbm, g1_hbm, idx_v, rows_v, sem):
        wid = lax.axis_index("s") * mesh.num_cores + lax.axis_index("c")
        base = wid * chunk
        pltpu.sync_copy(pos_hbm.at[pl.ds(base, chunk)], idx_v)
        pltpu.async_copy(y_hbm.at[idx_v], rows_v, sem).wait()
        pltpu.sync_copy(rows_v, g0_hbm.at[pl.ds(base, chunk)])
        pltpu.sync_copy(pos_hbm.at[pl.ds(N + base, chunk)], idx_v)
        pltpu.async_copy(y_hbm.at[idx_v], rows_v, sem).wait()
        pltpu.sync_copy(rows_v, g1_hbm.at[pl.ds(base, chunk)])

    return body(y, pos)


def _ffn_body(texp_ref, tvalid_ref, xs_ref, wg_ref, wu_ref, wd_ref, y_ref):
    t = pl.program_id(0)

    @pl.when(tvalid_ref[t] > 0)
    def _():
        xb = xs_ref[...]
        g = jnp.dot(xb, wg_ref[0], preferred_element_type=jnp.float32)
        u = jnp.dot(xb, wu_ref[0], preferred_element_type=jnp.float32)
        h = (g * jax.nn.sigmoid(g)) * u
        y_ref[...] = jnp.dot(h, wd_ref[0], preferred_element_type=jnp.float32)


def _grouped_ffn(texp, tvalid, x_sorted, eg, eu, ed):
    grid_spec = pltpu.PrefetchScalarGridSpec(
        num_scalar_prefetch=2,
        grid=(NT,),
        in_specs=[
            pl.BlockSpec((TM, D), lambda t, texp, tvalid: (t, 0)),
            pl.BlockSpec((1, D, F), lambda t, texp, tvalid: (texp[t], 0, 0)),
            pl.BlockSpec((1, D, F), lambda t, texp, tvalid: (texp[t], 0, 0)),
            pl.BlockSpec((1, F, D), lambda t, texp, tvalid: (texp[t], 0, 0)),
        ],
        out_specs=pl.BlockSpec((TM, D), lambda t, texp, tvalid: (t, 0)),
    )
    return pl.pallas_call(
        _ffn_body,
        grid_spec=grid_spec,
        out_shape=jax.ShapeDtypeStruct((NP, D), jnp.float32),
    )(texp, tvalid, x_sorted, eg, eu, ed)


def _combine_body(g0_ref, g1_ref, w_ref, x_ref, sg_ref, su_ref, sd_ref, o_ref):
    w = w_ref[...]
    xb = x_ref[...]
    a = jnp.dot(xb, sg_ref[...], preferred_element_type=jnp.float32)
    b = jnp.dot(xb, su_ref[...], preferred_element_type=jnp.float32)
    sh = (a * jax.nn.sigmoid(a)) * b
    o_ref[...] = (w[:, 0:1] * g0_ref[...] + w[:, 1:2] * g1_ref[...]
                  + jnp.dot(sh, sd_ref[...], preferred_element_type=jnp.float32))


def _combine(g0, g1, topk_w, x, sg, su, sd):
    tb = 256
    grid = (N // tb,)
    return pl.pallas_call(
        _combine_body,
        grid=grid,
        in_specs=[
            pl.BlockSpec((tb, D), lambda i: (i, 0)),
            pl.BlockSpec((tb, D), lambda i: (i, 0)),
            pl.BlockSpec((tb, K), lambda i: (i, 0)),
            pl.BlockSpec((tb, D), lambda i: (i, 0)),
            pl.BlockSpec((D, FS), lambda i: (0, 0)),
            pl.BlockSpec((D, FS), lambda i: (0, 0)),
            pl.BlockSpec((FS, D), lambda i: (0, 0)),
        ],
        out_specs=pl.BlockSpec((tb, D), lambda i: (i, 0)),
        out_shape=jax.ShapeDtypeStruct((N, D), jnp.float32),
    )(g0, g1, topk_w, x, sg, su, sd)


def kernel(hidden_states, w_gate, experts_gate, experts_up, experts_down,
           shared_gate, shared_up, shared_down):
    x = hidden_states
    topk_w, pos, texp, tvalid = _router_dispatch(x, w_gate)
    pos_flat = pos.reshape(K * N)
    texp_flat = texp.reshape(TM)[:NT]
    tvalid_flat = tvalid.reshape(TM)[:NT]
    x_sorted = _sc_scatter(x, pos_flat)
    y = _grouped_ffn(texp_flat, tvalid_flat, x_sorted,
                     experts_gate, experts_up, experts_down)
    g0, g1 = _sc_gather(y, pos_flat)
    return _combine(g0, g1, topk_w, x, shared_gate, shared_up, shared_down)

# --- scband reference (transcript-rebuilt; emitter-appended) ---
"""Pipeline reference for scband-mo-elayer-57844619543129 (READ-ONLY COPY).

The authoritative reference and input builder live on the scoring server;
editing this copy changes nothing except your own understanding.
"""

import jax, jax.numpy as jnp
import numpy as np

TOP_K = 2

def setup_inputs(seed: int = 0) -> dict:
    key = jax.random.key(seed)
    ks = jax.random.split(key, 8)
    N, d, f, E, fs = 2048, 1024, 512, 64, 512
    return {
        "hidden_states": jax.random.normal(ks[0], (N, d), dtype=jnp.float32),
        "w_gate": jax.random.normal(ks[1], (d, E), dtype=jnp.float32) * 0.02,
        "experts_gate": jax.random.normal(ks[2], (E, d, f), dtype=jnp.float32) * 0.02,
        "experts_up": jax.random.normal(ks[3], (E, d, f), dtype=jnp.float32) * 0.02,
        "experts_down": jax.random.normal(ks[4], (E, f, d), dtype=jnp.float32) * 0.02,
        "shared_gate": jax.random.normal(ks[5], (d, fs), dtype=jnp.float32) * 0.02,
        "shared_up": jax.random.normal(ks[6], (d, fs), dtype=jnp.float32) * 0.02,
        "shared_down": jax.random.normal(ks[7], (fs, d), dtype=jnp.float32) * 0.02,
    }

def reference(hidden_states, w_gate, experts_gate, experts_up, experts_down, shared_gate, shared_up, shared_down):
    x = hidden_states
    N, d = x.shape
    E = experts_gate.shape[0]
    k = TOP_K
    # gate returns raw logits -> softmax in float32 -> top-k -> renormalize (norm_topk_prob=True)
    logits = x @ w_gate
    probs = jax.nn.softmax(logits.astype(jnp.float32), axis=-1)
    topk_w, topk_i = jax.lax.top_k(probs, k)
    topk_w = topk_w / jnp.sum(topk_w, axis=-1, keepdims=True)
    topk_w = topk_w.astype(x.dtype)
    # fused MoE: dispatch tokens to experts, SwiGLU expert FFN, weighted combine
    out = jnp.zeros_like(x)
    for e in range(E):
        we = jnp.sum(jnp.where(topk_i == e, topk_w, jnp.zeros_like(topk_w)), axis=-1)[:, None]
        h = jax.nn.silu(x @ experts_gate[e]) * (x @ experts_up[e])
        ye = h @ experts_down[e]
        out = out + ye * we
    # shared expert path (always-on, unweighted)
    sh = jax.nn.silu(x @ shared_gate) * (x @ shared_up)
    out = out + sh @ shared_down
    return out

if __name__ == "__main__":
    import jax
    _d = setup_inputs()
    print(jax.jit(kernel)(*tuple(_d.values())))

</pallas_src>

<mosaic_0001>
#map = affine_map<(d0, d1) -> (0, 0)>
#map1 = affine_map<(d0, d1) -> (0)>
module attributes {stable_mosaic.version = 14 : i64} {
  func.func @body(%arg0: i32, %arg1: i32, %arg2: memref<2048x1024xf32, #tpu.memory_space<hbm>>, %arg3: memref<4096xi32, #tpu.memory_space<hbm>>, %arg4: memref<12288x1024xf32, #tpu.memory_space<hbm>>, %arg5: memref<64xi32, #tpu.memory_space<vmem>>, %arg6: memref<64xi32, #tpu.memory_space<vmem>>, %arg7: memref<64x1024xf32, #tpu.memory_space<vmem>>, %arg8: memref<!tpu.dma_semaphore, #tpu.memory_space<semaphore_mem>>) attributes {dimension_semantics = [#tpu.dimension_semantics<core_parallel>, #tpu.dimension_semantics<subcore_parallel>], iteration_bounds = array<i64: 2, 16>, scalar_prefetch = 0 : i64, scratch_operands = 4 : i64, tpu.core_type = #tpu.core_type<sc_vector_subcore>, window_params = [{transform_indices = #map}, {transform_indices = #map1}, {transform_indices = #map}]} {
    %mul3A = arith.constant 2 : i32
    %mul3A_0 = arith.muli %arg1, %mul3A : i32
    %add3A = arith.addi %mul3A_0, %arg0 : i32
    %mul3A_1 = arith.constant 64 : i32
    %mul3A_2 = arith.muli %add3A, %mul3A_1 : i32
    "tpu.region"() ({
      %run_scoped3A = tpu.sem_alloc : memref<!tpu.dma_semaphore, #tpu.memory_space<semaphore_mem>>
      %dma_start3A_15 = arith.constant 0 : i32
      %dma_start3A_16 = tpu.memref_slice %arg2[%mul3A_2, %dma_start3A_15] : memref<2048x1024xf32, #tpu.memory_space<hbm>> -> memref<64x1024xf32, #tpu.memory_space<hbm>>
      %dma_start3A_17 = arith.constant 0 : i32
      %dma_start3A_18 = tpu.memref_slice %arg2[%mul3A_2, %dma_start3A_17] : memref<2048x1024xf32, #tpu.memory_space<hbm>> -> memref<64x1024xf32, #tpu.memory_space<hbm>>
      tpu.enqueue_dma source(%dma_start3A_18 : memref<64x1024xf32, #tpu.memory_space<hbm>>) target(%arg7 : memref<64x1024xf32, #tpu.memory_space<vmem>>) target_semaphore(%run_scoped3A : memref<!tpu.dma_semaphore, #tpu.memory_space<semaphore_mem>>)
      %dma_wait3A_19 = arith.constant 0 : i32
      %dma_wait3A_20 = tpu.memref_slice %arg2[%mul3A_2, %dma_wait3A_19] : memref<2048x1024xf32, #tpu.memory_space<hbm>> -> memref<64x1024xf32, #tpu.memory_space<hbm>>
      %dma_wait3A_21 = arith.constant 0 : i32
      %dma_wait3A_22 = tpu.memref_slice %arg2[%mul3A_2, %dma_wait3A_21] : memref<2048x1024xf32, #tpu.memory_space<hbm>> -> memref<64x1024xf32, #tpu.memory_space<hbm>>
      tpu.wait_dma2 semaphore(%run_scoped3A : memref<!tpu.dma_semaphore, #tpu.memory_space<semaphore_mem>>) src(%dma_wait3A_22 : memref<64x1024xf32, #tpu.memory_space<hbm>>) dst(%arg7 : memref<64x1024xf32, #tpu.memory_space<vmem>>)
      tpu.yield
    }) : () -> ()
    "tpu.region"() ({
      %run_scoped3A = tpu.sem_alloc : memref<!tpu.dma_semaphore, #tpu.memory_space<semaphore_mem>>
      %dma_start3A_15 = tpu.memref_slice %arg3[%mul3A_2] : memref<4096xi32, #tpu.memory_space<hbm>> -> memref<64xi32, #tpu.memory_space<hbm>>
      %dma_start3A_16 = tpu.memref_slice %arg3[%mul3A_2] : memref<4096xi32, #tpu.memory_space<hbm>> -> memref<64xi32, #tpu.memory_space<hbm>>
      tpu.enqueue_dma source(%dma_start3A_16 : memref<64xi32, #tpu.memory_space<hbm>>) target(%arg5 : memref<64xi32, #tpu.memory_space<vmem>>) target_semaphore(%run_scoped3A : memref<!tpu.dma_semaphore, #tpu.memory_space<semaphore_mem>>)
      %dma_wait3A_17 = tpu.memref_slice %arg3[%mul3A_2] : memref<4096xi32, #tpu.memory_space<hbm>> -> memref<64xi32, #tpu.memory_space<hbm>>
      %dma_wait3A_18 = tpu.memref_slice %arg3[%mul3A_2] : memref<4096xi32, #tpu.memory_space<hbm>> -> memref<64xi32, #tpu.memory_space<hbm>>
      tpu.wait_dma2 semaphore(%run_scoped3A : memref<!tpu.dma_semaphore, #tpu.memory_space<semaphore_mem>>) src(%dma_wait3A_18 : memref<64xi32, #tpu.memory_space<hbm>>) dst(%arg5 : memref<64xi32, #tpu.memory_space<vmem>>)
      tpu.yield
    }) : () -> ()
    %add3A_3 = arith.constant 2048 : i32
    %add3A_4 = arith.addi %add3A_3, %mul3A_2 : i32
    "tpu.region"() ({
      %run_scoped3A = tpu.sem_alloc : memref<!tpu.dma_semaphore, #tpu.memory_space<semaphore_mem>>
      %dma_start3A_15 = tpu.memref_slice %arg3[%add3A_4] : memref<4096xi32, #tpu.memory_space<hbm>> -> memref<64xi32, #tpu.memory_space<hbm>>
      %dma_start3A_16 = tpu.memref_slice %arg3[%add3A_4] : memref<4096xi32, #tpu.memory_space<hbm>> -> memref<64xi32, #tpu.memory_space<hbm>>
      tpu.enqueue_dma source(%dma_start3A_16 : memref<64xi32, #tpu.memory_space<hbm>>) target(%arg6 : memref<64xi32, #tpu.memory_space<vmem>>) target_semaphore(%run_scoped3A : memref<!tpu.dma_semaphore, #tpu.memory_space<semaphore_mem>>)
      %dma_wait3A_17 = tpu.memref_slice %arg3[%add3A_4] : memref<4096xi32, #tpu.memory_space<hbm>> -> memref<64xi32, #tpu.memory_space<hbm>>
      %dma_wait3A_18 = tpu.memref_slice %arg3[%add3A_4] : memref<4096xi32, #tpu.memory_space<hbm>> -> memref<64xi32, #tpu.memory_space<hbm>>
      tpu.wait_dma2 semaphore(%run_scoped3A : memref<!tpu.dma_semaphore, #tpu.memory_space<semaphore_mem>>) src(%dma_wait3A_18 : memref<64xi32, #tpu.memory_space<hbm>>) dst(%arg6 : memref<64xi32, #tpu.memory_space<vmem>>)
      tpu.yield
    }) : () -> ()
    %dma_start3A = arith.constant 0 : i32
    %dma_start3A_5 = arith.constant 0 : i32
    %dma_start3A_6 = tpu.memref_slice %arg4[%dma_start3A, %dma_start3A_5] : memref<12288x1024xf32, #tpu.memory_space<hbm>> -> memref<12288x1024xf32, #tpu.memory_space<hbm>>
    tpu.enqueue_indirect_dma source(%arg7 : memref<64x1024xf32, #tpu.memory_space<vmem>>) target(%dma_start3A_6 : memref<12288x1024xf32, #tpu.memory_space<hbm>>) offsets(%arg5 : memref<64xi32, #tpu.memory_space<vmem>>) semaphore(%arg8 : memref<!tpu.dma_semaphore, #tpu.memory_space<semaphore_mem>>)
    %dma_start3A_7 = arith.constant 0 : i32
    %dma_start3A_8 = arith.constant 0 : i32
    %dma_start3A_9 = tpu.memref_slice %arg4[%dma_start3A_7, %dma_start3A_8] : memref<12288x1024xf32, #tpu.memory_space<hbm>> -> memref<12288x1024xf32, #tpu.memory_space<hbm>>
    tpu.enqueue_indirect_dma source(%arg7 : memref<64x1024xf32, #tpu.memory_space<vmem>>) target(%dma_start3A_9 : memref<12288x1024xf32, #tpu.memory_space<hbm>>) offsets(%arg6 : memref<64xi32, #tpu.memory_space<vmem>>) semaphore(%arg8 : memref<!tpu.dma_semaphore, #tpu.memory_space<semaphore_mem>>)
    %dma_wait3A = arith.constant 0 : i32
    %dma_wait3A_10 = arith.constant 0 : i32
    %dma_wait3A_11 = tpu.memref_slice %arg4[%dma_wait3A, %dma_wait3A_10] : memref<12288x1024xf32, #tpu.memory_space<hbm>> -> memref<12288x1024xf32, #tpu.memory_space<hbm>>
    tpu.wait_indirect_dma semaphore(%arg8 : memref<!tpu.dma_semaphore, #tpu.memory_space<semaphore_mem>>) src(%arg7 : memref<64x1024xf32, #tpu.memory_space<vmem>>) dst(%dma_wait3A_11 : memref<12288x1024xf32, #tpu.memory_space<hbm>>)
    %dma_wait3A_12 = arith.constant 0 : i32
    %dma_wait3A_13 = arith.constant 0 : i32
    %dma_wait3A_14 = tpu.memref_slice %arg4[%dma_wait3A_12, %dma_wait3A_13] : memref<12288x1024xf32, #tpu.memory_space<hbm>> -> memref<12288x1024xf32, #tpu.memory_space<hbm>>
    tpu.wait_indirect_dma semaphore(%arg8 : memref<!tpu.dma_semaphore, #tpu.memory_space<semaphore_mem>>) src(%arg7 : memref<64x1024xf32, #tpu.memory_space<vmem>>) dst(%dma_wait3A_14 : memref<12288x1024xf32, #tpu.memory_space<hbm>>)
    return
  }
}

#map = affine_map<(d0, d1) -> (0, 0)>
#map1 = affine_map<(d0, d1) -> (0)>
module attributes {stable_mosaic.version = 14 : i64} {
  func.func @body(%arg0: i32, %arg1: i32, %arg2: memref<12288x1024xf32, #tpu.memory_space<hbm>>, %arg3: memref<4096xi32, #tpu.memory_space<hbm>>, %arg4: memref<2048x1024xf32, #tpu.memory_space<hbm>>, %arg5: memref<2048x1024xf32, #tpu.memory_space<hbm>>, %arg6: memref<64xi32, #tpu.memory_space<vmem>>, %arg7: memref<64x1024xf32, #tpu.memory_space<vmem>>, %arg8: memref<!tpu.dma_semaphore, #tpu.memory_space<semaphore_mem>>) attributes {dimension_semantics = [#tpu.dimension_semantics<core_parallel>, #tpu.dimension_semantics<subcore_parallel>], iteration_bounds = array<i64: 2, 16>, scalar_prefetch = 0 : i64, scratch_operands = 3 : i64, tpu.core_type = #tpu.core_type<sc_vector_subcore>, window_params = [{transform_indices = #map}, {transform_indices = #map1}, {transform_indices = #map}, {transform_indices = #map}]} {
    %mul3A = arith.constant 2 : i32
    %mul3A_0 = arith.muli %arg1, %mul3A : i32
    %add3A = arith.addi %mul3A_0, %arg0 : i32
    %mul3A_1 = arith.constant 64 : i32
    %mul3A_2 = arith.muli %add3A, %mul3A_1 : i32
    "tpu.region"() ({
      %run_scoped3A = tpu.sem_alloc : memref<!tpu.dma_semaphore, #tpu.memory_space<semaphore_mem>>
      %dma_start3A_15 = tpu.memref_slice %arg3[%mul3A_2] : memref<4096xi32, #tpu.memory_space<hbm>> -> memref<64xi32, #tpu.memory_space<hbm>>
      %dma_start3A_16 = tpu.memref_slice %arg3[%mul3A_2] : memref<4096xi32, #tpu.memory_space<hbm>> -> memref<64xi32, #tpu.memory_space<hbm>>
      tpu.enqueue_dma source(%dma_start3A_16 : memref<64xi32, #tpu.memory_space<hbm>>) target(%arg6 : memref<64xi32, #tpu.memory_space<vmem>>) target_semaphore(%run_scoped3A : memref<!tpu.dma_semaphore, #tpu.memory_space<semaphore_mem>>)
      %dma_wait3A_17 = tpu.memref_slice %arg3[%mul3A_2] : memref<4096xi32, #tpu.memory_space<hbm>> -> memref<64xi32, #tpu.memory_space<hbm>>
      %dma_wait3A_18 = tpu.memref_slice %arg3[%mul3A_2] : memref<4096xi32, #tpu.memory_space<hbm>> -> memref<64xi32, #tpu.memory_space<hbm>>
      tpu.wait_dma2 semaphore(%run_scoped3A : memref<!tpu.dma_semaphore, #tpu.memory_space<semaphore_mem>>) src(%dma_wait3A_18 : memref<64xi32, #tpu.memory_space<hbm>>) dst(%arg6 : memref<64xi32, #tpu.memory_space<vmem>>)
      tpu.yield
    }) : () -> ()
    %dma_start3A = arith.constant 0 : i32
    %dma_start3A_3 = arith.constant 0 : i32
    %dma_start3A_4 = tpu.memref_slice %arg2[%dma_start3A, %dma_start3A_3] : memref<12288x1024xf32, #tpu.memory_space<hbm>> -> memref<12288x1024xf32, #tpu.memory_space<hbm>>
    tpu.enqueue_indirect_dma source(%dma_start3A_4 : memref<12288x1024xf32, #tpu.memory_space<hbm>>) target(%arg7 : memref<64x1024xf32, #tpu.memory_space<vmem>>) offsets(%arg6 : memref<64xi32, #tpu.memory_space<vmem>>) semaphore(%arg8 : memref<!tpu.dma_semaphore, #tpu.memory_space<semaphore_mem>>)
    %dma_wait3A = arith.constant 0 : i32
    %dma_wait3A_5 = arith.constant 0 : i32
    %dma_wait3A_6 = tpu.memref_slice %arg2[%dma_wait3A, %dma_wait3A_5] : memref<12288x1024xf32, #tpu.memory_space<hbm>> -> memref<12288x1024xf32, #tpu.memory_space<hbm>>
    tpu.wait_indirect_dma semaphore(%arg8 : memref<!tpu.dma_semaphore, #tpu.memory_space<semaphore_mem>>) src(%dma_wait3A_6 : memref<12288x1024xf32, #tpu.memory_space<hbm>>) dst(%arg7 : memref<64x1024xf32, #tpu.memory_space<vmem>>)
    "tpu.region"() ({
      %run_scoped3A = tpu.sem_alloc : memref<!tpu.dma_semaphore, #tpu.memory_space<semaphore_mem>>
      %dma_start3A_15 = arith.constant 0 : i32
      %dma_start3A_16 = tpu.memref_slice %arg4[%mul3A_2, %dma_start3A_15] : memref<2048x1024xf32, #tpu.memory_space<hbm>> -> memref<64x1024xf32, #tpu.memory_space<hbm>>
      %dma_start3A_17 = arith.constant 0 : i32
      %dma_start3A_18 = tpu.memref_slice %arg4[%mul3A_2, %dma_start3A_17] : memref<2048x1024xf32, #tpu.memory_space<hbm>> -> memref<64x1024xf32, #tpu.memory_space<hbm>>
      tpu.enqueue_dma source(%arg7 : memref<64x1024xf32, #tpu.memory_space<vmem>>) target(%dma_start3A_18 : memref<64x1024xf32, #tpu.memory_space<hbm>>) target_semaphore(%run_scoped3A : memref<!tpu.dma_semaphore, #tpu.memory_space<semaphore_mem>>)
      %dma_wait3A_19 = arith.constant 0 : i32
      %dma_wait3A_20 = tpu.memref_slice %arg4[%mul3A_2, %dma_wait3A_19] : memref<2048x1024xf32, #tpu.memory_space<hbm>> -> memref<64x1024xf32, #tpu.memory_space<hbm>>
      %dma_wait3A_21 = arith.constant 0 : i32
      %dma_wait3A_22 = tpu.memref_slice %arg4[%mul3A_2, %dma_wait3A_21] : memref<2048x1024xf32, #tpu.memory_space<hbm>> -> memref<64x1024xf32, #tpu.memory_space<hbm>>
      tpu.wait_dma2 semaphore(%run_scoped3A : memref<!tpu.dma_semaphore, #tpu.memory_space<semaphore_mem>>) src(%arg7 : memref<64x1024xf32, #tpu.memory_space<vmem>>) dst(%dma_wait3A_22 : memref<64x1024xf32, #tpu.memory_space<hbm>>)
      tpu.yield
    }) : () -> ()
    %add3A_7 = arith.constant 2048 : i32
    %add3A_8 = arith.addi %add3A_7, %mul3A_2 : i32
    "tpu.region"() ({
      %run_scoped3A = tpu.sem_alloc : memref<!tpu.dma_semaphore, #tpu.memory_space<semaphore_mem>>
      %dma_start3A_15 = tpu.memref_slice %arg3[%add3A_8] : memref<4096xi32, #tpu.memory_space<hbm>> -> memref<64xi32, #tpu.memory_space<hbm>>
      %dma_start3A_16 = tpu.memref_slice %arg3[%add3A_8] : memref<4096xi32, #tpu.memory_space<hbm>> -> memref<64xi32, #tpu.memory_space<hbm>>
      tpu.enqueue_dma source(%dma_start3A_16 : memref<64xi32, #tpu.memory_space<hbm>>) target(%arg6 : memref<64xi32, #tpu.memory_space<vmem>>) target_semaphore(%run_scoped3A : memref<!tpu.dma_semaphore, #tpu.memory_space<semaphore_mem>>)
      %dma_wait3A_17 = tpu.memref_slice %arg3[%add3A_8] : memref<4096xi32, #tpu.memory_space<hbm>> -> memref<64xi32, #tpu.memory_space<hbm>>
      %dma_wait3A_18 = tpu.memref_slice %arg3[%add3A_8] : memref<4096xi32, #tpu.memory_space<hbm>> -> memref<64xi32, #tpu.memory_space<hbm>>
      tpu.wait_dma2 semaphore(%run_scoped3A : memref<!tpu.dma_semaphore, #tpu.memory_space<semaphore_mem>>) src(%dma_wait3A_18 : memref<64xi32, #tpu.memory_space<hbm>>) dst(%arg6 : memref<64xi32, #tpu.memory_space<vmem>>)
      tpu.yield
    }) : () -> ()
    %dma_start3A_9 = arith.constant 0 : i32
    %dma_start3A_10 = arith.constant 0 : i32
    %dma_start3A_11 = tpu.memref_slice %arg2[%dma_start3A_9, %dma_start3A_10] : memref<12288x1024xf32, #tpu.memory_space<hbm>> -> memref<12288x1024xf32, #tpu.memory_space<hbm>>
    tpu.enqueue_indirect_dma source(%dma_start3A_11 : memref<12288x1024xf32, #tpu.memory_space<hbm>>) target(%arg7 : memref<64x1024xf32, #tpu.memory_space<vmem>>) offsets(%arg6 : memref<64xi32, #tpu.memory_space<vmem>>) semaphore(%arg8 : memref<!tpu.dma_semaphore, #tpu.memory_space<semaphore_mem>>)
    %dma_wait3A_12 = arith.constant 0 : i32
    %dma_wait3A_13 = arith.constant 0 : i32
    %dma_wait3A_14 = tpu.memref_slice %arg2[%dma_wait3A_12, %dma_wait3A_13] : memref<12288x1024xf32, #tpu.memory_space<hbm>> -> memref<12288x1024xf32, #tpu.memory_space<hbm>>
    tpu.wait_indirect_dma semaphore(%arg8 : memref<!tpu.dma_semaphore, #tpu.memory_space<semaphore_mem>>) src(%dma_wait3A_14 : memref<12288x1024xf32, #tpu.memory_space<hbm>>) dst(%arg7 : memref<64x1024xf32, #tpu.memory_space<vmem>>)
    "tpu.region"() ({
      %run_scoped3A = tpu.sem_alloc : memref<!tpu.dma_semaphore, #tpu.memory_space<semaphore_mem>>
      %dma_start3A_15 = arith.constant 0 : i32
      %dma_start3A_16 = tpu.memref_slice %arg5[%mul3A_2, %dma_start3A_15] : memref<2048x1024xf32, #tpu.memory_space<hbm>> -> memref<64x1024xf32, #tpu.memory_space<hbm>>
      %dma_start3A_17 = arith.constant 0 : i32
      %dma_start3A_18 = tpu.memref_slice %arg5[%mul3A_2, %dma_start3A_17] : memref<2048x1024xf32, #tpu.memory_space<hbm>> -> memref<64x1024xf32, #tpu.memory_space<hbm>>
      tpu.enqueue_dma source(%arg7 : memref<64x1024xf32, #tpu.memory_space<vmem>>) target(%dma_start3A_18 : memref<64x1024xf32, #tpu.memory_space<hbm>>) target_semaphore(%run_scoped3A : memref<!tpu.dma_semaphore, #tpu.memory_space<semaphore_mem>>)
      %dma_wait3A_19 = arith.constant 0 : i32
      %dma_wait3A_20 = tpu.memref_slice %arg5[%mul3A_2, %dma_wait3A_19] : memref<2048x1024xf32, #tpu.memory_space<hbm>> -> memref<64x1024xf32, #tpu.memory_space<hbm>>
      %dma_wait3A_21 = arith.constant 0 : i32
      %dma_wait3A_22 = tpu.memref_slice %arg5[%mul3A_2, %dma_wait3A_21] : memref<2048x1024xf32, #tpu.memory_space<hbm>> -> memref<64x1024xf32, #tpu.memory_space<hbm>>
      tpu.wait_dma2 semaphore(%run_scoped3A : memref<!tpu.dma_semaphore, #tpu.memory_space<semaphore_mem>>) src(%arg7 : memref<64x1024xf32, #tpu.memory_space<vmem>>) dst(%dma_wait3A_22 : memref<64x1024xf32, #tpu.memory_space<hbm>>)
      tpu.yield
    }) : () -> ()
    return
  }
}

module attributes {stable_mosaic.version = 14 : i64} {
  func.func @_router_dispatch_body(%arg0: memref<2048x1024xf32, #tpu.memory_space<vmem>>, %arg1: memref<1024x64xf32, #tpu.memory_space<vmem>>, %arg2: memref<2048x2xf32, #tpu.memory_space<vmem>>, %arg3: memref<4096x1xi32, #tpu.memory_space<vmem>>, %arg4: memref<128x1xi32, #tpu.memory_space<vmem>>, %arg5: memref<128x1xi32, #tpu.memory_space<vmem>>, %arg6: memref<4096x64xf32, #tpu.memory_space<vmem>>) attributes {dimension_semantics = [], scalar_prefetch = 0 : i64, scratch_operands = 1 : i64, tpu.core_type = #tpu.core_type<tc>} {
    %get3A = arith.constant 0 : index
    %get3A_0 = arith.constant 0 : index
    %get3A_1 = vector.load %arg0[%get3A, %get3A_0] : memref<2048x1024xf32, #tpu.memory_space<vmem>>, vector<2048x1024xf32>
    %get3A_2 = arith.constant 0 : index
    %get3A_3 = arith.constant 0 : index
    %get3A_4 = vector.load %arg1[%get3A_2, %get3A_3] : memref<1024x64xf32, #tpu.memory_space<vmem>>, vector<1024x64xf32>
    %dot_general3A = arith.constant dense<0.000000e+00> : vector<2048x64xf32>
    %dot_general3A_5 = tpu.matmul %get3A_1, %get3A_4, %dot_general3A {dimension_numbers = #tpu.dot_dimension_numbers<[1], [0], [0], [1], [0, 0, 1, 1], [], []>, transpose_lhs_hint = false} : vector<2048x1024xf32>, vector<1024x64xf32>, vector<2048x64xf32> -> vector<2048x64xf32>
    %reduce_max3A = arith.constant dense<0xFF800000> : vector<2048xf32>
    %reduce_max3A_6 = vector.multi_reduction <maximumf>, %dot_general3A_5, %reduce_max3A [1] : vector<2048x64xf32> to vector<2048xf32>
    %broadcast_in_dim3A = vector.shape_cast %reduce_max3A_6 : vector<2048xf32> to vector<2048x1xf32>
    %sub3A = vector.broadcast %broadcast_in_dim3A : vector<2048x1xf32> to vector<2048x64xf32>
    %sub3A_7 = arith.subf %dot_general3A_5, %sub3A : vector<2048x64xf32>
    %exp3A = math.exp %sub3A_7 : vector<2048x64xf32>
    %reduce_sum3A = arith.constant dense<0.000000e+00> : vector<2048xf32>
    %reduce_sum3A_8 = vector.multi_reduction <add>, %exp3A, %reduce_sum3A [1] : vector<2048x64xf32> to vector<2048xf32>
    %broadcast_in_dim3A_9 = vector.shape_cast %reduce_sum3A_8 : vector<2048xf32> to vector<2048x1xf32>
    %div3A = vector.broadcast %broadcast_in_dim3A_9 : vector<2048x1xf32> to vector<2048x64xf32>
    %div3A_10 = arith.divf %exp3A, %div3A : vector<2048x64xf32>
    %iota3A = tpu.iota {dimensions = array<i32: 1>} : vector<2048x64xi32>
    %reduce_max3A_11 = arith.constant dense<0xFF800000> : vector<2048xf32>
    %reduce_max3A_12 = vector.multi_reduction <maximumf>, %div3A_10, %reduce_max3A_11 [1] : vector<2048x64xf32> to vector<2048xf32>
    %broadcast_in_dim3A_13 = vector.shape_cast %reduce_max3A_12 : vector<2048xf32> to vector<2048x1xf32>
    %eq3A = vector.broadcast %broadcast_in_dim3A_13 : vector<2048x1xf32> to vector<2048x64xf32>
    %eq3A_14 = arith.cmpf oeq, %div3A_10, %eq3A : vector<2048x64xf32>
    %jit3A = arith.constant 64 : i32
    %broadcast_in_dim3A_15 = vector.broadcast %jit3A : i32 to vector<2048x64xi32>
    %select_n3A = arith.select %eq3A_14, %iota3A, %broadcast_in_dim3A_15 : vector<2048x64xi1>, vector<2048x64xi32>
    %reduce_min3A = arith.constant dense<2147483647> : vector<2048xi32>
    %reduce_min3A_16 = vector.multi_reduction <minsi>, %select_n3A, %reduce_min3A [1] : vector<2048x64xi32> to vector<2048xi32>
    %broadcast_in_dim3A_17 = vector.shape_cast %reduce_min3A_16 : vector<2048xi32> to vector<2048x1xi32>
    %eq3A_18 = vector.broadcast %broadcast_in_dim3A_17 : vector<2048x1xi32> to vector<2048x64xi32>
    %eq3A_19 = arith.cmpi eq, %iota3A, %eq3A_18 : vector<2048x64xi32>
    %jit3A_20 = arith.constant -1.000000e+00 : f32
    %broadcast_in_dim3A_21 = vector.broadcast %jit3A_20 : f32 to vector<2048x64xf32>
    %select_n3A_22 = arith.select %eq3A_19, %broadcast_in_dim3A_21, %div3A_10 : vector<2048x64xi1>, vector<2048x64xf32>
    %reduce_max3A_23 = arith.constant dense<0xFF800000> : vector<2048xf32>
    %reduce_max3A_24 = vector.multi_reduction <maximumf>, %select_n3A_22, %reduce_max3A_23 [1] : vector<2048x64xf32> to vector<2048xf32>
    %broadcast_in_dim3A_25 = vector.shape_cast %reduce_max3A_24 : vector<2048xf32> to vector<2048x1xf32>
    %eq3A_26 = vector.broadcast %broadcast_in_dim3A_25 : vector<2048x1xf32> to vector<2048x64xf32>
    %eq3A_27 = arith.cmpf oeq, %select_n3A_22, %eq3A_26 : vector<2048x64xf32>
    %jit3A_28 = arith.constant 64 : i32
    %broadcast_in_dim3A_29 = vector.broadcast %jit3A_28 : i32 to vector<2048x64xi32>
    %select_n3A_30 = arith.select %eq3A_27, %iota3A, %broadcast_in_dim3A_29 : vector<2048x64xi1>, vector<2048x64xi32>
    %reduce_min3A_31 = arith.constant dense<2147483647> : vector<2048xi32>
    %reduce_min3A_32 = vector.multi_reduction <minsi>, %select_n3A_30, %reduce_min3A_31 [1] : vector<2048x64xi32> to vector<2048xi32>
    %broadcast_in_dim3A_33 = vector.shape_cast %reduce_min3A_32 : vector<2048xi32> to vector<2048x1xi32>
    %add3A = arith.addf %broadcast_in_dim3A_13, %broadcast_in_dim3A_25 : vector<2048x1xf32>
    %div3A_34 = arith.divf %broadcast_in_dim3A_13, %add3A : vector<2048x1xf32>
    %div3A_35 = arith.divf %broadcast_in_dim3A_25, %add3A : vector<2048x1xf32>
    %concatenate3A = tpu.concatenate %div3A_34, %div3A_35 in 1 : vector<2048x1xf32>, vector<2048x1xf32> -> vector<2048x2xf32>
    %swap3A = arith.constant 0 : index
    %swap3A_36 = arith.constant 0 : index
    %swap3A_37 = vector.load %arg2[%swap3A, %swap3A_36] : memref<2048x2xf32, #tpu.memory_space<vmem>>, vector<2048x2xf32>
    tpu.vector_store %arg2[%swap3A, %swap3A_36], %concatenate3A {strides = array<i32>} : memref<2048x2xf32, #tpu.memory_space<vmem>>, vector<2048x2xf32>,
    %concatenate3A_38 = tpu.concatenate %broadcast_in_dim3A_17, %broadcast_in_dim3A_33 in 0 : vector<2048x1xi32>, vector<2048x1xi32> -> vector<4096x1xi32>
    %iota3A_39 = tpu.iota {dimensions = array<i32: 1>} : vector<4096x64xi32>
    %eq3A_40 = vector.broadcast %concatenate3A_38 : vector<4096x1xi32> to vector<4096x64xi32>
    %eq3A_41 = arith.cmpi eq, %eq3A_40, %iota3A_39 : vector<4096x64xi32>
    %convert_element_type3A = arith.extui %eq3A_41 : vector<4096x64xi1> to vector<4096x64xi32>
    %convert_element_type3A_42 = arith.sitofp %convert_element_type3A : vector<4096x64xi32> to vector<4096x64xf32>
    %swap3A_43 = arith.constant 0 : index
    %swap3A_44 = arith.constant 0 : index
    %swap3A_45 = vector.load %arg6[%swap3A_43, %swap3A_44] : memref<4096x64xf32, #tpu.memory_space<vmem>>, vector<4096x64xf32>
    tpu.vector_store %arg6[%swap3A_43, %swap3A_44], %convert_element_type3A_42 {strides = array<i32>} : memref<4096x64xf32, #tpu.memory_space<vmem>>, vector<4096x64xf32>,
    %reduce_sum3A_46 = arith.constant dense<0.000000e+00> : vector<64xf32>
    %reduce_sum3A_47 = vector.multi_reduction <add>, %convert_element_type3A_42, %reduce_sum3A_46 [0] : vector<4096x64xf32> to vector<64xf32>
    %broadcast_in_dim3A_48 = vector.shape_cast %reduce_sum3A_47 : vector<64xf32> to vector<1x64xf32>
    %add3A_49 = arith.constant 1.270000e+02 : f32
    %add3A_50 = vector.broadcast %add3A_49 : f32 to vector<1x64xf32>
    %add3A_51 = arith.addf %broadcast_in_dim3A_48, %add3A_50 : vector<1x64xf32>
    %mul3A = arith.constant 7.812500e-03 : f32
    %mul3A_52 = vector.broadcast %mul3A : f32 to vector<1x64xf32>
    %mul3A_53 = arith.mulf %add3A_51, %mul3A_52 : vector<1x64xf32>
    %floor3A = math.floor %mul3A_53 : vector<1x64xf32>
    %iota3A_54 = tpu.iota {dimensions = array<i32: 0>} : vector<64x64xi32>
    %iota3A_55 = tpu.iota {dimensions = array<i32: 1>} : vector<64x64xi32>
    %lt3A = arith.cmpi slt, %iota3A_54, %iota3A_55 : vector<64x64xi32>
    %convert_element_type3A_56 = arith.extui %lt3A : vector<64x64xi1> to vector<64x64xi32>
    %convert_element_type3A_57 = arith.sitofp %convert_element_type3A_56 : vector<64x64xi32> to vector<64x64xf32>
    %dot_general3A_58 = arith.constant dense<0.000000e+00> : vector<1x64xf32>
    %dot_general3A_59 = tpu.matmul %floor3A, %convert_element_type3A_57, %dot_general3A_58 {dimension_numbers = #tpu.dot_dimension_numbers<[1], [0], [0], [1], [0, 0, 1, 1], [], []>, transpose_lhs_hint = false} : vector<1x64xf32>, vector<64x64xf32>, vector<1x64xf32> -> vector<1x64xf32>
    %mul3A_60 = arith.constant 1.280000e+02 : f32
    %mul3A_61 = vector.broadcast %mul3A_60 : f32 to vector<1x64xf32>
    %mul3A_62 = arith.mulf %dot_general3A_59, %mul3A_61 : vector<1x64xf32>
    %sub3A_63 = arith.constant 1.000000e+00 : f32
    %sub3A_64 = vector.broadcast %sub3A_63 : f32 to vector<1x64xf32>
    %sub3A_65 = arith.subf %mul3A_62, %sub3A_64 : vector<1x64xf32>
    %iota3A_66 = tpu.iota {dimensions = array<i32: 0>} : vector<128x128xi32>
    %iota3A_67 = tpu.iota {dimensions = array<i32: 1>} : vector<128x128xi32>
    %ge3A = arith.cmpi sge, %iota3A_66, %iota3A_67 : vector<128x128xi32>
    %convert_element_type3A_68 = arith.extui %ge3A : vector<128x128xi1> to vector<128x128xi32>
    %convert_element_type3A_69 = arith.sitofp %convert_element_type3A_68 : vector<128x128xi32> to vector<128x128xf32>
    %broadcast_in_dim3A_70 = arith.constant 0.000000e+00 : f32
    %broadcast_in_dim3A_71 = vector.broadcast %broadcast_in_dim3A_70 : f32 to vector<1x64xf32>
    %scan3A = arith.constant 0 : i32
    %scan3A_72 = arith.constant 32 : i32
    %scan3A_73 = arith.addi %scan3A, %scan3A_72 : i32
    %scan3A_74 = arith.constant 1 : i32
    %scan3A_75 = scf.for %scan3A_103 = %scan3A to %scan3A_73 step %scan3A_74 iter_args(%scan3A_104 = %broadcast_in_dim3A_71) -> (vector<1x64xf32>)  : i32 {
      %mul3A_105 = arith.constant 128 : i32
      %mul3A_106 = arith.muli %scan3A_103, %mul3A_105 : i32
      %get3A_107 = arith.index_cast %mul3A_106 : i32 to index
      %get3A_108 = arith.constant 0 : index
      %get3A_109 = vector.load %arg6[%get3A_107, %get3A_108] : memref<4096x64xf32, #tpu.memory_space<vmem>>, vector<128x64xf32>
      %dot_general3A_110 = arith.constant dense<0.000000e+00> : vector<128x64xf32>
      %dot_general3A_111 = tpu.matmul %convert_element_type3A_69, %get3A_109, %dot_general3A_110 {dimension_numbers = #tpu.dot_dimension_numbers<[1], [0], [0], [1], [0, 0, 1, 1], [], []>, transpose_lhs_hint = false} : vector<128x128xf32>, vector<128x64xf32>, vector<128x64xf32> -> vector<128x64xf32>
      %add3A_112 = vector.broadcast %scan3A_104 : vector<1x64xf32> to vector<128x64xf32>
      %add3A_113 = arith.addf %dot_general3A_111, %add3A_112 : vector<128x64xf32>
      %add3A_114 = vector.broadcast %sub3A_65 : vector<1x64xf32> to vector<128x64xf32>
      %add3A_115 = arith.addf %add3A_113, %add3A_114 : vector<128x64xf32>
      %mul3A_116 = arith.mulf %get3A_109, %add3A_115 : vector<128x64xf32>
      %reduce_sum3A_117 = arith.constant dense<0.000000e+00> : vector<128xf32>
      %reduce_sum3A_118 = vector.multi_reduction <add>, %mul3A_116, %reduce_sum3A_117 [1] : vector<128x64xf32> to vector<128xf32>
      %broadcast_in_dim3A_119 = vector.shape_cast %reduce_sum3A_118 : vector<128xf32> to vector<128x1xf32>
      %convert_element_type3A_120 = arith.fptosi %broadcast_in_dim3A_119 : vector<128x1xf32> to vector<128x1xi32>
      %mul3A_121 = arith.constant 128 : i32
      %mul3A_122 = arith.muli %scan3A_103, %mul3A_121 : i32
      %swap3A_123 = arith.index_cast %mul3A_122 : i32 to index
      %swap3A_124 = arith.constant 0 : index
      %swap3A_125 = vector.load %arg3[%swap3A_123, %swap3A_124] : memref<4096x1xi32, #tpu.memory_space<vmem>>, vector<128x1xi32>
      tpu.vector_store %arg3[%swap3A_123, %swap3A_124], %convert_element_type3A_120 {strides = array<i32>} : memref<4096x1xi32, #tpu.memory_space<vmem>>, vector<128x1xi32>,
      %reduce_sum3A_126 = arith.constant dense<0.000000e+00> : vector<64xf32>
      %reduce_sum3A_127 = vector.multi_reduction <add>, %get3A_109, %reduce_sum3A_126 [0] : vector<128x64xf32> to vector<64xf32>
      %broadcast_in_dim3A_128 = vector.shape_cast %reduce_sum3A_127 : vector<64xf32> to vector<1x64xf32>
      %add3A_129 = arith.addf %scan3A_104, %broadcast_in_dim3A_128 : vector<1x64xf32>
      scf.yield %add3A_129 : vector<1x64xf32>
    }
    %scan3A_76 = arith.constant 32 : i32
    %iota3A_77 = tpu.iota {dimensions = array<i32: 0>} : vector<128x64xi32>
    %convert_element_type3A_78 = arith.sitofp %iota3A_77 : vector<128x64xi32> to vector<128x64xf32>
    %le3A = vector.broadcast %dot_general3A_59 : vector<1x64xf32> to vector<128x64xf32>
    %le3A_79 = arith.cmpf ole, %le3A, %convert_element_type3A_78 : vector<128x64xf32>
    %convert_element_type3A_80 = arith.extui %le3A_79 : vector<128x64xi1> to vector<128x64xi32>
    %convert_element_type3A_81 = arith.sitofp %convert_element_type3A_80 : vector<128x64xi32> to vector<128x64xf32>
    %reduce_sum3A_82 = arith.constant dense<0.000000e+00> : vector<128xf32>
    %reduce_sum3A_83 = vector.multi_reduction <add>, %convert_element_type3A_81, %reduce_sum3A_82 [1] : vector<128x64xf32> to vector<128xf32>
    %broadcast_in_dim3A_84 = vector.shape_cast %reduce_sum3A_83 : vector<128xf32> to vector<128x1xf32>
    %sub3A_85 = arith.constant 1.000000e+00 : f32
    %sub3A_86 = vector.broadcast %sub3A_85 : f32 to vector<128x1xf32>
    %sub3A_87 = arith.subf %broadcast_in_dim3A_84, %sub3A_86 : vector<128x1xf32>
    %max3A = arith.constant 0.000000e+00 : f32
    %max3A_88 = vector.broadcast %max3A : f32 to vector<128x1xf32>
    %max3A_89 = arith.maximumf %sub3A_87, %max3A_88 : vector<128x1xf32>
    %convert_element_type3A_90 = arith.fptosi %max3A_89 : vector<128x1xf32> to vector<128x1xi32>
    %swap3A_91 = arith.constant 0 : index
    %swap3A_92 = arith.constant 0 : index
    %swap3A_93 = vector.load %arg4[%swap3A_91, %swap3A_92] : memref<128x1xi32, #tpu.memory_space<vmem>>, vector<128x1xi32>
    tpu.vector_store %arg4[%swap3A_91, %swap3A_92], %convert_element_type3A_90 {strides = array<i32>} : memref<128x1xi32, #tpu.memory_space<vmem>>, vector<128x1xi32>,
    %reduce_sum3A_94 = arith.constant dense<0.000000e+00> : vector<1xf32>
    %reduce_sum3A_95 = vector.multi_reduction <add>, %floor3A, %reduce_sum3A_94 [1] : vector<1x64xf32> to vector<1xf32>
    %broadcast_in_dim3A_96 = vector.shape_cast %reduce_sum3A_95 : vector<1xf32> to vector<1x1xf32>
    %slice3A = vector.extract_strided_slice %convert_element_type3A_78 {offsets = [0, 0], sizes = [128, 1], strides = [1, 1]} : vector<128x64xf32> to vector<128x1xf32>
    %lt3A_97 = vector.broadcast %broadcast_in_dim3A_96 : vector<1x1xf32> to vector<128x1xf32>
    %lt3A_98 = arith.cmpf olt, %slice3A, %lt3A_97 : vector<128x1xf32>
    %convert_element_type3A_99 = arith.extui %lt3A_98 : vector<128x1xi1> to vector<128x1xi32>
    %swap3A_100 = arith.constant 0 : index
    %swap3A_101 = arith.constant 0 : index
    %swap3A_102 = vector.load %arg5[%swap3A_100, %swap3A_101] : memref<128x1xi32, #tpu.memory_space<vmem>>, vector<128x1xi32>
    tpu.vector_store %arg5[%swap3A_100, %swap3A_101], %convert_element_type3A_99 {strides = array<i32>} : memref<128x1xi32, #tpu.memory_space<vmem>>, vector<128x1xi32>,
    return
  }
}

module attributes {stable_mosaic.version = 14 : i64} {
  func.func @_ffn_body(%arg0: i32, %arg1: memref<96xi32, #tpu.memory_space<smem>>, %arg2: memref<96xi32, #tpu.memory_space<smem>>, %arg3: memref<128x1024xf32, #tpu.memory_space<vmem>>, %arg4: memref<1x1024x512xf32, #tpu.memory_space<vmem>>, %arg5: memref<1x1024x512xf32, #tpu.memory_space<vmem>>, %arg6: memref<1x512x1024xf32, #tpu.memory_space<vmem>>, %arg7: memref<128x1024xf32, #tpu.memory_space<vmem>>) attributes {dimension_semantics = [#tpu.dimension_semantics<arbitrary>], iteration_bounds = array<i64: 96>, scalar_prefetch = 2 : i64, scratch_operands = 0 : i64, tpu.core_type = #tpu.core_type<tc>, window_params = [{transform_indices = @transform_0, window_bounds = array<i64: 128, 1024>}, {transform_indices = @transform_1, window_bounds = array<i64: 1, 1024, 512>}, {transform_indices = @transform_2, window_bounds = array<i64: 1, 1024, 512>}, {transform_indices = @transform_3, window_bounds = array<i64: 1, 512, 1024>}, {transform_indices = @transform_4, window_bounds = array<i64: 128, 1024>}]} {
    %get3A = arith.index_cast %arg0 : i32 to index
    %get3A_0 = memref.load %arg2[%get3A] : memref<96xi32, #tpu.memory_space<smem>>
    %gt3A = arith.constant 0 : i32
    %gt3A_1 = arith.cmpi sgt, %get3A_0, %gt3A : i32
    %convert_element_type3A = arith.extui %gt3A_1 : i1 to i32
    %cond3A = arith.constant 0 : i32
    %cond3A_2 = arith.cmpi ne, %convert_element_type3A, %cond3A : i32
    scf.if %cond3A_2 {
      %get3A_3 = arith.constant 0 : index
      %get3A_4 = arith.constant 0 : index
      %get3A_5 = vector.load %arg3[%get3A_3, %get3A_4] : memref<128x1024xf32, #tpu.memory_space<vmem>>, vector<128x1024xf32>
      %get3A_6 = arith.constant 0 : index
      %get3A_7 = arith.constant 0 : index
      %get3A_8 = arith.constant 0 : index
      %get3A_9 = vector.load %arg4[%get3A_6, %get3A_7, %get3A_8] : memref<1x1024x512xf32, #tpu.memory_space<vmem>>, vector<1x1024x512xf32>
      %get3A_10 = vector.shape_cast %get3A_9 : vector<1x1024x512xf32> to vector<1024x512xf32>
      %dot_general3A = arith.constant dense<0.000000e+00> : vector<128x512xf32>
      %dot_general3A_11 = tpu.matmul %get3A_5, %get3A_10, %dot_general3A {dimension_numbers = #tpu.dot_dimension_numbers<[1], [0], [0], [1], [0, 0, 1, 1], [], []>, transpose_lhs_hint = false} : vector<128x1024xf32>, vector<1024x512xf32>, vector<128x512xf32> -> vector<128x512xf32>
      %get3A_12 = arith.constant 0 : index
      %get3A_13 = arith.constant 0 : index
      %get3A_14 = arith.constant 0 : index
      %get3A_15 = vector.load %arg5[%get3A_12, %get3A_13, %get3A_14] : memref<1x1024x512xf32, #tpu.memory_space<vmem>>, vector<1x1024x512xf32>
      %get3A_16 = vector.shape_cast %get3A_15 : vector<1x1024x512xf32> to vector<1024x512xf32>
      %dot_general3A_17 = arith.constant dense<0.000000e+00> : vector<128x512xf32>
      %dot_general3A_18 = tpu.matmul %get3A_5, %get3A_16, %dot_general3A_17 {dimension_numbers = #tpu.dot_dimension_numbers<[1], [0], [0], [1], [0, 0, 1, 1], [], []>, transpose_lhs_hint = false} : vector<128x1024xf32>, vector<1024x512xf32>, vector<128x512xf32> -> vector<128x512xf32>
      %logistic3A = arith.negf %dot_general3A_11 : vector<128x512xf32>
      %logistic3A_19 = math.exp %logistic3A : vector<128x512xf32>
      %logistic3A_20 = arith.constant 1.000000e+00 : f32
      %logistic3A_21 = vector.broadcast %logistic3A_20 : f32 to vector<128x512xf32>
      %logistic3A_22 = arith.addf %logistic3A_21, %logistic3A_19 : vector<128x512xf32>
      %logistic3A_23 = arith.divf %logistic3A_21, %logistic3A_22 : vector<128x512xf32>
      %mul3A = arith.mulf %dot_general3A_11, %logistic3A_23 : vector<128x512xf32>
      %mul3A_24 = arith.mulf %mul3A, %dot_general3A_18 : vector<128x512xf32>
      %get3A_25 = arith.constant 0 : index
      %get3A_26 = arith.constant 0 : index
      %get3A_27 = arith.constant 0 : index
      %get3A_28 = vector.load %arg6[%get3A_25, %get3A_26, %get3A_27] : memref<1x512x1024xf32, #tpu.memory_space<vmem>>, vector<1x512x1024xf32>
      %get3A_29 = vector.shape_cast %get3A_28 : vector<1x512x1024xf32> to vector<512x1024xf32>
      %dot_general3A_30 = arith.constant dense<0.000000e+00> : vector<128x1024xf32>
      %dot_general3A_31 = tpu.matmul %mul3A_24, %get3A_29, %dot_general3A_30 {dimension_numbers = #tpu.dot_dimension_numbers<[1], [0], [0], [1], [0, 0, 1, 1], [], []>, transpose_lhs_hint = false} : vector<128x512xf32>, vector<512x1024xf32>, vector<128x1024xf32> -> vector<128x1024xf32>
      %swap3A = arith.constant 0 : index
      %swap3A_32 = arith.constant 0 : index
      %swap3A_33 = vector.load %arg7[%swap3A, %swap3A_32] : memref<128x1024xf32, #tpu.memory_space<vmem>>, vector<128x1024xf32>
      tpu.vector_store %arg7[%swap3A, %swap3A_32], %dot_general3A_31 {strides = array<i32>} : memref<128x1024xf32, #tpu.memory_space<vmem>>, vector<128x1024xf32>,
    } else {
    }
    return
  }
  func.func @transform_0(%arg0: i32, %arg1: memref<96xi32, #tpu.memory_space<smem>>, %arg2: memref<96xi32, #tpu.memory_space<smem>>) -> (i32, i32) {
    %c0_i32 = arith.constant 0 : i32
    %c0_i32_0 = arith.constant 0 : i32
    return %arg0, %c0_i32 : i32, i32
  }
  func.func @transform_1(%arg0: i32, %arg1: memref<96xi32, #tpu.memory_space<smem>>, %arg2: memref<96xi32, #tpu.memory_space<smem>>) -> (i32, i32, i32) {
    %get3A = arith.index_cast %arg0 : i32 to index
    %get3A_0 = memref.load %arg1[%get3A] : memref<96xi32, #tpu.memory_space<smem>>
    %c0_i32 = arith.constant 0 : i32
    %c0_i32_1 = arith.constant 0 : i32
    %c0_i32_2 = arith.constant 0 : i32
    return %get3A_0, %c0_i32, %c0_i32_1 : i32, i32, i32
  }
  func.func @transform_2(%arg0: i32, %arg1: memref<96xi32, #tpu.memory_space<smem>>, %arg2: memref<96xi32, #tpu.memory_space<smem>>) -> (i32, i32, i32) {
    %get3A = arith.index_cast %arg0 : i32 to index
    %get3A_0 = memref.load %arg1[%get3A] : memref<96xi32, #tpu.memory_space<smem>>
    %c0_i32 = arith.constant 0 : i32
    %c0_i32_1 = arith.constant 0 : i32
    %c0_i32_2 = arith.constant 0 : i32
    return %get3A_0, %c0_i32, %c0_i32_1 : i32, i32, i32
  }
  func.func @transform_3(%arg0: i32, %arg1: memref<96xi32, #tpu.memory_space<smem>>, %arg2: memref<96xi32, #tpu.memory_space<smem>>) -> (i32, i32, i32) {
    %get3A = arith.index_cast %arg0 : i32 to index
    %get3A_0 = memref.load %arg1[%get3A] : memref<96xi32, #tpu.memory_space<smem>>
    %c0_i32 = arith.constant 0 : i32
    %c0_i32_1 = arith.constant 0 : i32
    %c0_i32_2 = arith.constant 0 : i32
    return %get3A_0, %c0_i32, %c0_i32_1 : i32, i32, i32
  }
  func.func @transform_4(%arg0: i32, %arg1: memref<96xi32, #tpu.memory_space<smem>>, %arg2: memref<96xi32, #tpu.memory_space<smem>>) -> (i32, i32) {
    %c0_i32 = arith.constant 0 : i32
    %c0_i32_0 = arith.constant 0 : i32
    return %arg0, %c0_i32 : i32, i32
  }
}

module attributes {stable_mosaic.version = 14 : i64} {
  func.func @_combine_body(%arg0: i32, %arg1: memref<256x1024xf32, #tpu.memory_space<vmem>>, %arg2: memref<256x1024xf32, #tpu.memory_space<vmem>>, %arg3: memref<256x2xf32, #tpu.memory_space<vmem>>, %arg4: memref<256x1024xf32, #tpu.memory_space<vmem>>, %arg5: memref<1024x512xf32, #tpu.memory_space<vmem>>, %arg6: memref<1024x512xf32, #tpu.memory_space<vmem>>, %arg7: memref<512x1024xf32, #tpu.memory_space<vmem>>, %arg8: memref<256x1024xf32, #tpu.memory_space<vmem>>) attributes {dimension_semantics = [#tpu.dimension_semantics<arbitrary>], iteration_bounds = array<i64: 8>, scalar_prefetch = 0 : i64, scratch_operands = 0 : i64, tpu.core_type = #tpu.core_type<tc>, window_params = [{transform_indices = @transform_0, window_bounds = array<i64: 256, 1024>}, {transform_indices = @transform_1, window_bounds = array<i64: 256, 1024>}, {transform_indices = @transform_2, window_bounds = array<i64: 256, 2>}, {transform_indices = @transform_3, window_bounds = array<i64: 256, 1024>}, {pipeline_mode = #tpu.pipeline_mode<synchronous>, transform_indices = @transform_4, window_bounds = array<i64: 1024, 512>}, {pipeline_mode = #tpu.pipeline_mode<synchronous>, transform_indices = @transform_5, window_bounds = array<i64: 1024, 512>}, {pipeline_mode = #tpu.pipeline_mode<synchronous>, transform_indices = @transform_6, window_bounds = array<i64: 512, 1024>}, {transform_indices = @transform_7, window_bounds = array<i64: 256, 1024>}]} {
    %get3A = arith.constant 0 : index
    %get3A_0 = arith.constant 0 : index
    %get3A_1 = vector.load %arg3[%get3A, %get3A_0] : memref<256x2xf32, #tpu.memory_space<vmem>>, vector<256x2xf32>
    %get3A_2 = arith.constant 0 : index
    %get3A_3 = arith.constant 0 : index
    %get3A_4 = vector.load %arg4[%get3A_2, %get3A_3] : memref<256x1024xf32, #tpu.memory_space<vmem>>, vector<256x1024xf32>
    %get3A_5 = arith.constant 0 : index
    %get3A_6 = arith.constant 0 : index
    %get3A_7 = vector.load %arg5[%get3A_5, %get3A_6] : memref<1024x512xf32, #tpu.memory_space<vmem>>, vector<1024x512xf32>
    %dot_general3A = arith.constant dense<0.000000e+00> : vector<256x512xf32>
    %dot_general3A_8 = tpu.matmul %get3A_4, %get3A_7, %dot_general3A {dimension_numbers = #tpu.dot_dimension_numbers<[1], [0], [0], [1], [0, 0, 1, 1], [], []>, transpose_lhs_hint = false} : vector<256x1024xf32>, vector<1024x512xf32>, vector<256x512xf32> -> vector<256x512xf32>
    %get3A_9 = arith.constant 0 : index
    %get3A_10 = arith.constant 0 : index
    %get3A_11 = vector.load %arg6[%get3A_9, %get3A_10] : memref<1024x512xf32, #tpu.memory_space<vmem>>, vector<1024x512xf32>
    %dot_general3A_12 = arith.constant dense<0.000000e+00> : vector<256x512xf32>
    %dot_general3A_13 = tpu.matmul %get3A_4, %get3A_11, %dot_general3A_12 {dimension_numbers = #tpu.dot_dimension_numbers<[1], [0], [0], [1], [0, 0, 1, 1], [], []>, transpose_lhs_hint = false} : vector<256x1024xf32>, vector<1024x512xf32>, vector<256x512xf32> -> vector<256x512xf32>
    %logistic3A = arith.negf %dot_general3A_8 : vector<256x512xf32>
    %logistic3A_14 = math.exp %logistic3A : vector<256x512xf32>
    %logistic3A_15 = arith.constant 1.000000e+00 : f32
    %logistic3A_16 = vector.broadcast %logistic3A_15 : f32 to vector<256x512xf32>
    %logistic3A_17 = arith.addf %logistic3A_16, %logistic3A_14 : vector<256x512xf32>
    %logistic3A_18 = arith.divf %logistic3A_16, %logistic3A_17 : vector<256x512xf32>
    %mul3A = arith.mulf %dot_general3A_8, %logistic3A_18 : vector<256x512xf32>
    %mul3A_19 = arith.mulf %mul3A, %dot_general3A_13 : vector<256x512xf32>
    %slice3A = vector.extract_strided_slice %get3A_1 {offsets = [0, 0], sizes = [256, 1], strides = [1, 1]} : vector<256x2xf32> to vector<256x1xf32>
    %get3A_20 = arith.constant 0 : index
    %get3A_21 = arith.constant 0 : index
    %get3A_22 = vector.load %arg1[%get3A_20, %get3A_21] : memref<256x1024xf32, #tpu.memory_space<vmem>>, vector<256x1024xf32>
    %mul3A_23 = vector.broadcast %slice3A : vector<256x1xf32> to vector<256x1024xf32>
    %mul3A_24 = arith.mulf %mul3A_23, %get3A_22 : vector<256x1024xf32>
    %slice3A_25 = vector.extract_strided_slice %get3A_1 {offsets = [0, 1], sizes = [256, 1], strides = [1, 1]} : vector<256x2xf32> to vector<256x1xf32>
    %get3A_26 = arith.constant 0 : index
    %get3A_27 = arith.constant 0 : index
    %get3A_28 = vector.load %arg2[%get3A_26, %get3A_27] : memref<256x1024xf32, #tpu.memory_space<vmem>>, vector<256x1024xf32>
    %mul3A_29 = vector.broadcast %slice3A_25 : vector<256x1xf32> to vector<256x1024xf32>
    %mul3A_30 = arith.mulf %mul3A_29, %get3A_28 : vector<256x1024xf32>
    %add3A = arith.addf %mul3A_24, %mul3A_30 : vector<256x1024xf32>
    %get3A_31 = arith.constant 0 : index
    %get3A_32 = arith.constant 0 : index
    %get3A_33 = vector.load %arg7[%get3A_31, %get3A_32] : memref<512x1024xf32, #tpu.memory_space<vmem>>, vector<512x1024xf32>
    %dot_general3A_34 = arith.constant dense<0.000000e+00> : vector<256x1024xf32>
    %dot_general3A_35 = tpu.matmul %mul3A_19, %get3A_33, %dot_general3A_34 {dimension_numbers = #tpu.dot_dimension_numbers<[1], [0], [0], [1], [0, 0, 1, 1], [], []>, transpose_lhs_hint = false} : vector<256x512xf32>, vector<512x1024xf32>, vector<256x1024xf32> -> vector<256x1024xf32>
    %add3A_36 = arith.addf %add3A, %dot_general3A_35 : vector<256x1024xf32>
    %swap3A = arith.constant 0 : index
    %swap3A_37 = arith.constant 0 : index
    %swap3A_38 = vector.load %arg8[%swap3A, %swap3A_37] : memref<256x1024xf32, #tpu.memory_space<vmem>>, vector<256x1024xf32>
    tpu.vector_store %arg8[%swap3A, %swap3A_37], %add3A_36 {strides = array<i32>} : memref<256x1024xf32, #tpu.memory_space<vmem>>, vector<256x1024xf32>,
    return
  }
  func.func @transform_0(%arg0: i32) -> (i32, i32) {
    %c0_i32 = arith.constant 0 : i32
    %c0_i32_0 = arith.constant 0 : i32
    return %arg0, %c0_i32 : i32, i32
  }
  func.func @transform_1(%arg0: i32) -> (i32, i32) {
    %c0_i32 = arith.constant 0 : i32
    %c0_i32_0 = arith.constant 0 : i32
    return %arg0, %c0_i32 : i32, i32
  }
  func.func @transform_2(%arg0: i32) -> (i32, i32) {
    %c0_i32 = arith.constant 0 : i32
    %c0_i32_0 = arith.constant 0 : i32
    return %arg0, %c0_i32 : i32, i32
  }
  func.func @transform_3(%arg0: i32) -> (i32, i32) {
    %c0_i32 = arith.constant 0 : i32
    %c0_i32_0 = arith.constant 0 : i32
    return %arg0, %c0_i32 : i32, i32
  }
  func.func @transform_4(%arg0: i32) -> (i32, i32) {
    %c0_i32 = arith.constant 0 : i32
    %c0_i32_0 = arith.constant 0 : i32
    %c0_i32_1 = arith.constant 0 : i32
    return %c0_i32, %c0_i32_0 : i32, i32
  }
  func.func @transform_5(%arg0: i32) -> (i32, i32) {
    %c0_i32 = arith.constant 0 : i32
    %c0_i32_0 = arith.constant 0 : i32
    %c0_i32_1 = arith.constant 0 : i32
    return %c0_i32, %c0_i32_0 : i32, i32
  }
  func.func @transform_6(%arg0: i32) -> (i32, i32) {
    %c0_i32 = arith.constant 0 : i32
    %c0_i32_0 = arith.constant 0 : i32
    %c0_i32_1 = arith.constant 0 : i32
    return %c0_i32, %c0_i32_0 : i32, i32
  }
  func.func @transform_7(%arg0: i32) -> (i32, i32) {
    %c0_i32 = arith.constant 0 : i32
    %c0_i32_0 = arith.constant 0 : i32
    return %arg0, %c0_i32 : i32, i32
  }
}

</mosaic_0001>

<sc_bundles>
// kernel: kernel.10.cloned.1.call-start
scs
__scs_entry_jumppad:
0x0: {  	(pc) =	sbr.rel $0x88, $3  }
0x1: {  	(tag) =	ssettag $0x0;
	lr =	simm.s32 $0x1  }
0x2: {  	[smem:$0x3F99] =	sst lr;
	_ =	strace $0xD0000000  }
0x3: {  	_ = 	snop  }
0x4: {  	_ = 	snop  }
0x5: {  	_ = 	snop  }
0x6: {  	_ = 	snop  }
0x7: {  	_ = 	snop  }
__scs_overlays_trampoline_lowered:
0x8: {  	[smem:$0x3FA8] =	sst s0  }
0x9: {  	[smem:$0x3FA9] =	sst s1  }
0xa: {  	[smem:$0x3FAA] =	sst s2  }
0xb: {  	[smem:$0x3FAB] =	sst s3  }
0xc: {  	[smem:$0x3FAC] =	sst s4  }
0xd: {  	[smem:$0x3FAD] =	sst s5  }
0xe: {  	[smem:$0x3FAE] =	sst s6  }
0xf: {  	[smem:$0x3FAF] =	sst s7  }
0x10: {  	[smem:$0x3FB0] =	sst s8  }
0x11: {  	[smem:$0x3FB1] =	sst s9;
	s0 =	simm.s32 @!p0 $0x0  }
0x12: {  	s1 =	sld [smem:$0x3F97];
	s0 =	simm.s32 @p0 $0x1  }
0x13: {  	[smem:$0x3FB2] =	sst s0;
	s0 =	simm.s32 @!p1 $0x0  }
0x14: {  	s2 =	sld [smem:$0x3F96];
	s0 =	simm.s32 @p1 $0x1  }
0x15: {  	[smem:$0x3FB3] =	sst s0;
	s0 =	simm.s32 @!p2 $0x0  }
0x16: {  	s3 =	sld [smem:$0x3FDB];
	s0 =	simm.s32 @p2 $0x1  }
0x17: {  	s4 =	simm.s32 $0x1BF5;
	[smem:$0x3FB5] =	sst s0  }
0x18: {  	s0 =	sld [smem:$0x3F98];
	_ =	swait.ge [sflag:s4], $0x0  }
0x19: {  	s7 =	sld [smem:$0x3F99]  }
0x1a: {  	s8 =	sadd.s32 $0xFFFFE003, lr  }
0x1b: {  	s9 =	sadd.s32 $0xFFFFFEF7, lr;
	s5 =	simm.s32 $0xFFFFFFFF;
	p2 =	slt.u32 s8, $0xFFFFF086  }
0x1c: {  	p1 =	slt.u32 s9, $0xF7A;
	s5 =	simm.s32 @!p2 $0x0  }
0x1d: {  	s5 =	simm.s32 @p1 $0x1;
	p0 =	seq.s32 s7, s2  }
0x1e: {  	s7 =	smul.u32 @!p0 $0xF7A, s2;
	p2 =	seq.s32 @!p0 s5, $0x0  }
0x1f: {  	s9 =	smul.u32 $0xF7A, s1;
	s8 =	simm.s32 @!p0 $0x1BF5;
	p2 =	por !p2, p0  }
0x20: {  	[sflag:s8] =	ssyncset.s32 @!p0 $0xFFFFF086;
	s6 =	sadd.s32 @!p0 s3, s7;
	s7 =	simm.s32 @!p0 $0x108  }
0x21: {  	s3 =	sadd.s32 s3, s9;
	s6 =	sadd.s32 @!p0 $0x88, s6;
	s7 =	simm.s32 @p2 $0x1082  }
0x22: {  	[simem:s7], [sflag:s8] =	dma.local @!p0 [hbm:s6], $0xF7A  }
0x23: {  	s9 =	sor.u32 $0xD0000000, s2;
	s6 =	simm.s32 $0x108;
	_ =	swait.ge @!p0 [sflag:s8], $0x0  }
0x24: {  	s3 =	sadd.s32 $0x88, s3;
	s6 =	simm.s32 @!p1 $0x1082;
	[sflag:s4] =	ssyncset.s32 $0xFFFFF086  }
0x25: {  	[simem:s6], [sflag:s4] =	dma.local [hbm:s3], $0xF7A  }
0x26: {  	[smem:$0x3F99] =	sst s1;
	(tag) =	ssettag s2;
	_ =	strace s9  }
0x27: {  	s1 =	sld [smem:$0x3FA9]  }
0x28: {  	s2 =	sld [smem:$0x3FAA]  }
0x29: {  	s4 =	sld [smem:$0x3FAC]  }
0x2a: {  	p0 =	seq.s32 s5, $0x0;
	s5 =	sld [smem:$0x3FAD]  }
0x2b: {  	s6 =	sld [smem:$0x3FAE]  }
0x2c: {  	s7 =	sld [smem:$0x3FAF]  }
0x2d: {  	s3 =	simm.s32 $0x108;
	s8 =	sld [smem:$0x3FB0]  }
0x2e: {  	s3 =	simm.s32 @!p0 $0x1082;
	s9 =	sld [smem:$0x3FB1]  }
0x2f: {  	lr =	sadd.s32 s0, s3;
	s0 =	sld [smem:$0x3FA8]  }
0x30: {  	s3 =	sld [smem:$0x3FAB]  }
0x31: {  	[smem:$0x3FB4] =	sst s10  }
0x32: {  	s10 =	sld [smem:$0x3FB2];
	_ =	sdelay $0x3  }
0x33: {  	p0 =	seq.s32 s10, $0x1;
	s10 =	sld [smem:$0x3FB4];
	_ =	sdelay $0x3  }
0x34: {  	[smem:$0x3FB4] =	sst s10  }
0x35: {  	s10 =	sld [smem:$0x3FB3];
	_ =	sdelay $0x3  }
0x36: {  	p1 =	seq.s32 s10, $0x1;
	s10 =	sld [smem:$0x3FB4];
	_ =	sdelay $0x3  }
0x37: {  	[smem:$0x3FB4] =	sst s10  }
0x38: {  	s10 =	sld [smem:$0x3FB5]  }
0x39: {  	_ = 	snop;
	(pc) =	sbr.ind lr, $3  }
0x3a: {  	_ = 	snop  }
0x3b: {  	_ = 	snop  }
0x3c: {  	p2 =	seq.s32 s10, $0x1;
	s10 =	sld [smem:$0x3FB4]  }
0x3d: {  	_ =	shalt  }
0x3e: {  	_ =	shalt  }
0x3f: {  	_ =	shalt  }
0x40: {  	_ =	shalt  }
0x41: {  	_ =	shalt  }
0x42: {  	_ =	shalt  }
0x43: {  	_ =	shalt  }
0x44: {  	_ =	shalt  }
0x45: {  	_ =	shalt  }
0x46: {  	_ =	shalt  }
0x47: {  	_ =	shalt  }
0x48: {  	_ =	shalt  }
0x49: {  	_ =	shalt  }
0x4a: {  	_ =	shalt  }
0x4b: {  	_ =	shalt  }
0x4c: {  	_ =	shalt  }
0x4d: {  	_ =	shalt  }
0x4e: {  	_ =	shalt  }
0x4f: {  	_ =	shalt  }
0x50: {  	_ =	shalt  }
0x51: {  	_ =	shalt  }
0x52: {  	_ =	shalt  }
0x53: {  	_ =	shalt  }
0x54: {  	_ =	shalt  }
0x55: {  	_ =	shalt  }
0x56: {  	_ =	shalt  }
0x57: {  	_ =	shalt  }
0x58: {  	_ =	shalt  }
0x59: {  	_ =	shalt  }
0x5a: {  	_ =	shalt  }
0x5b: {  	_ =	shalt  }
0x5c: {  	_ =	shalt  }
0x5d: {  	_ =	shalt  }
0x5e: {  	_ =	shalt  }
0x5f: {  	_ =	shalt  }
0x60: {  	_ =	shalt  }
0x61: {  	_ =	shalt  }
0x62: {  	_ =	shalt  }
0x63: {  	_ =	shalt  }
0x64: {  	_ =	shalt  }
0x65: {  	_ =	shalt  }
0x66: {  	_ =	shalt  }
0x67: {  	_ =	shalt  }
0x68: {  	_ =	shalt  }
0x69: {  	_ =	shalt  }
0x6a: {  	_ =	shalt  }
0x6b: {  	_ =	shalt  }
0x6c: {  	_ =	shalt  }
0x6d: {  	_ =	shalt  }
0x6e: {  	_ =	shalt  }
0x6f: {  	_ =	shalt  }
0x70: {  	_ =	shalt  }
0x71: {  	_ =	shalt  }
0x72: {  	_ =	shalt  }
0x73: {  	_ =	shalt  }
0x74: {  	_ =	shalt  }
0x75: {  	_ =	shalt  }
0x76: {  	_ =	shalt  }
0x77: {  	_ =	shalt  }
0x78: {  	_ =	shalt  }
0x79: {  	_ =	shalt  }
0x7a: {  	_ =	shalt  }
0x7b: {  	_ =	shalt  }
0x7c: {  	_ =	shalt  }
0x7d: {  	_ =	shalt  }
0x7e: {  	_ =	shalt  }
0x7f: {  	_ =	shalt  }
0x80: {  	_ =	shalt  }
0x81: {  	_ =	shalt  }
0x82: {  	_ =	shalt  }
0x83: {  	_ =	shalt  }
0x84: {  	_ =	shalt  }
0x85: {  	_ =	shalt  }
0x86: {  	_ =	shalt  }
0x87: {  	_ =	shalt  }
.Lfunc_end0:
.L_simem_size_0:
called_computation.1_lowered:
.L_overlay_start_0:
0x88: {  	s2 =	sld [smem:$0x3FD9]  }
0x89: {  	s3 =	sld [smem:$0x3FFE];
	_ =	sdelay $0x1  }
0x8a: {  	s1 =	srdreg.scid  }
0x8b: {  	s0 =	sand.u32 $0x1, s1  }
0x8c: {  	s17 =	sshll.u32 s0, $0xA;
	s2 =	sadd.s32 s3, s2  }
0x8d: {  	s2 =	sadd.s32 s2, s17  }
0x8e: {  	[smem:$0x3FC0] =	sst s2  }
0x8f: {  	_ = 	snop  }
0x90: {  	s2 =	sld [smem:$0x3FD0];
	(tm) =	ssettm $0x1  }
0x91: {  	s18 =	sld [smem:$0x3FFB];
	_ =	sdelay $0x3  }
0x92: {  	_ =	strace s18  }
0x93: {  	s3 =	sld [smem:$0x3FFC];
	_ =	sdelay $0x3  }
0x94: {  	_ =	strace s3  }
0x95: {  	s3 =	sld [smem:$0x3FFD];
	_ =	sdelay $0x3  }
0x96: {  	_ =	strace s3  }
0x97: {  	_ =	strace $0x8FFFFFFF  }
0x98: {  	s19 =	sld [smem:$0x3FDB];
	_ =	sdelay $0x1  }
0x99: {  	s4 =	simm.s32 $_scs_section_size  }
0x9a: {  	s5 =	simm.s32 $_size__tile_overlayer_lowered;
	s6 =	simm.s32 $_tile_overlayer_lowered  }
0x9b: {  	s22 =	simm.s32 $0x1BFF;
	s21 =	sshll.u32 s6, $0x1;
	s3 =	sadd.s32 s4, s19  }
0x9c: {  	s7 =	simm.s32 $0x0;
	s20 =	sshll.u32 s5, $0x1;
	s5 =	sadd.s32 s21, s3  }
0x9d: {  	[timem:s7], [sflag:s22] =	dma.local [hbm:s5], s20  }
0x9e: {  	_ =	swait.ge [sflag:s22], s20  }
0x9f: {  	s4 =	ssub.s32 $0x0, s20;
	[sflag:s22] =	ssyncset.done $0x0  }
0xa0: {  	[sflag:s22] =	ssyncadd.s32 s4;
	_ =	sdelay $0x1  }
0xa1: {  	s23 =	simm.s32 $0x1B8B  }
0xa2: {  	_ =	swait.ge [sflag:s23], $0x1  }
0xa3: {  	[sflag:s23] =	ssyncset.done $0x0  }
0xa4: {  	s25 =	simm.s32 $0x1B8E;
	s24 =	sld [smem:$0x3FFE];
	[sflag:s23] =	ssyncadd.s32 $0xFFFFFFFF  }
0xa5: {  	s26 =	simm.s32 $execute0_lowered;
	[smem:$0x3FD2] =	sst s25  }
0xa6: {  	s5 =	sshll.u32 s26, $0x1;
	_ =	strace $0x80000049;
	[dreg:$0x1] =	wrdreg $0xFFFFFFFF  }
0xa7: {  	s28 =	simm.s32 $_size_execute0_lowered;
	s3 =	sadd.s32 s3, s5;
	[dreg:$0x0] =	wrdreg $0x0  }
0xa8: {  	s5 =	sshll.u32 s28, $0x1;
	[dreg:$0x2] =	wrdreg s3  }
0xa9: {  	[dreg:$0x3] =	wrdreg s5  }
0xaa: {  	[dreg:$0x4] =	wrdreg $0xC0  }
0xab: {  	_ =	task [dreg:s7], $0x5FFFF  }
0xac: {  	[dreg:$0x1] =	wrdreg $0xFFFFFFFF  }
0xad: {  	[dreg:$0x0] =	wrdreg $0x60  }
0xae: {  	[dreg:$0x2] =	wrdreg s24  }
0xaf: {  	[dreg:$0x3] =	wrdreg s2  }
0xb0: {  	[dreg:$0x4] =	wrdreg $0x9  }
0xb1: {  	_ =	task.clear_ibuf [dreg:s7], $0x5FFFF;
	_ =	strace $0x90000049  }
0xb2: {  	s29 =	simm.s32 $0x9;
	_ =	strace $0x8000004B  }
0xb3: {  	_ =	swait.ge [sflag:s29], $0x1  }
0xb4: {  	[sflag:s29] =	ssyncadd.s32 $0xFFFFFFFF  }
0xb5: {  	_ =	strace $0x9000004B  }
0xb6: {  	_ =	sfence  }
0xb7: {  	s30 =	sld [smem:$0x0];
	_ =	sdelay $0x2  }
0xb8: {  	s31 =	sshll.u32 s1, $0xD;
	s1 =	sshrl.u32 s1, $0x2  }
0xb9: {  	s3 =	sand.u32 $0x4000, s31;
	s1 =	sadd.s32 s1, s30  }
0xba: {  	s0 =	sor.u32 s3, s0;
	s1 =	sshll.u32 s1, $0x11  }
0xbb: {  	s0 =	sor.u32 s1, s0  }
0xbc: {  	s0 =	sadd.s32 $0x8F2B, s0  }
0xbd: {  	[sflag:s0] =	ssyncadd.remote.s32 $0x1  }
0xbe: {  	_ =	sfence.sel $0xFFFF  }
0xbf: {  	[dreg:$0x0] =	wrdreg $0xFFFFFFFF;
	(pc) =	sbr.abs _section_cstart, $3  }
0xc0: {  	[dreg:$0x1] =	wrdreg $0xFFFFFFFF  }
0xc1: {  	_ =	task.clear_ibuf [dreg:s7], $0x2FFFF;
	_ =	strace $0x9FFFFFFF  }
0xc2: {  	(tm) =	ssettm $0x7FFFFFFF  }
0xc3: {  	_ =	shalt  }
tec
execute0_lowered:
.L_overlay_start_1:
0x0: {  	(tag) =	ssettag $0x1  }
0x1: {  	s0 =	rddreg [dreg:$0x0]  }
0x2: {  	s1 =	rddreg [dreg:$0x1];
	s3 =	srdreg.scid  }
0x3: {  	s2 =	simm.s32 $0x0;
	s5 =	stileid.u32;
	s18 =	simm.s32 $0x1  }
0x4: {  	s20 =	simm.s32 $0x880;
	s21 =	simm.s32 $0x1080;
	s28 =	simm.s32 $0x4080  }
0x5: {  	s29 =	simm.s32 $0x4880;
	s30 =	simm.s32 $0x5080;
	s31 =	simm.s32 $0x5880  }
0x6: {  	s10 =	simm.s32 $0x7080;
	s11 =	simm.s32 $0x7880;
	s12 =	simm.s32 $0x8080  }
0x7: {  	s13 =	simm.s32 $0x8880;
	s14 =	simm.s32 $0x9080;
	s15 =	simm.s32 $0x9880  }
0x8: {  	s16 =	simm.s32 $0xA080;
	s17 =	simm.s32 $0xA880;
	s9 =	simm.s32 $0xB080  }
0x9: {  	s4 =	sand.u32 $0x1, s3;
	[smem:$0x7FF] =	sst s2;
	s22 =	sshll.u32 s5, $0x7  }
0xa: {  	s3 =	sadd.s32 $0x189000, s0;
	s23 =	sshll.u32 s4, $0x6;
	s4 =	ssub.s32 $0x2, s4  }
0xb: {  	_ =	strace $0x8000004A;
	s5 =	sor.u32 s23, s22;
	s7 =	sshrl.u32 s4, $0x1  }
0xc: {  	s22 =	simm.s32 $0x1880;
	s23 =	simm.s32 $0x2080;
	s6 =	sshrl.u32 s5, $0x3  }
0xd: {  	s5 =	sshll.u32 s5, $0x7;
	s7 =	ssub.s32 s4, s7;
	s4 =	sadd.s32 $0x189100, s0  }
0xe: {  	s6 =	sadd.s32 s6, s0;
	s8 =	sadd.s32 s5, s0;
	s1 =	sadd.s32 s1, s5  }
0xf: {  	s5 =	sadd.s32 $0x189200, s0;
	s24 =	sadd.s32 $0x8E00, s6;
	[dreg:$0x4] =	wrdreg s1  }
0x10: {  	s7 =	smax.u32 s7, $0x1;
	s25 =	sadd.s32 $0x8F00, s6;
	[dreg:$0x3] =	wrdreg s24  }
0x11: {  	v2 =	vlaneseq.u32;
	s6 =	sadd.s32 $0x189300, s0;
	s26 =	sadd.s32 $0x9000, s8;
	[dreg:$0x5] =	wrdreg s25  }
0x12: {  	vm0 =	vmmov $0xffff;
	v1 =	vshrl.u32 v2, $0x3;
	s8 =	simm.s32 $0x2;
	s0 =	simm.s32 $0x80;
	[dreg:$0x6] =	wrdreg s26  }
0x13: {  	v0 =	vand.u32 $0x7, v2;
	v2 =	vor.u32 $0x8, v2;
	v1 =	vmul.u32 $0x8, v1;
	s24 =	simm.s32 $0x2880;
	s25 =	simm.s32 $0x3080;
	s26 =	simm.s32 $0x3880  }
.LBB2_1:
0x14: {  	s19 =	rddreg [dreg:$0x3]  }
0x15: {  	[tilespmem:s2], [sflag:$0x2] =	stream.linear.gather [hbm4b:s19+s2], $0x40, $0x38;
	[tilespmem:$0x10080] =	vst v63  }
0x16: {  	_ =	swait.ge [sflag:s8], $0x40  }
0x17: {  	[sflag:s8] =	ssyncset.done $0x0  }
0x18: {  	[sflag:s8] =	ssyncadd.s32 $0xFFFFFFC0  }
0x19: {  	v3 =	vld [tilespmem:$0x0];
	_ =	sdelay $0x4  }
0x1a: {  	v4 =	vshll.u32 v3, $0x3  }
0x1b: {  	v3 =	vand.u32 $0x7, v3;
	v4 =	vand.u32 $0xFFFFFFC0, v4  }
0x1c: {  	v3 =	vor.u32 v3, v4  }
0x1d: {  	v4 =	vperm.xlane v3, v0;
	_ =	sdelay $0x1  }
0x1e: {  	v4 =	vadd.s32 v1, v4;
	_ =	sdelay $0x4  }
0x1f: {  	[tilespmem:s0], [sflag:$0x1] =	stream.indirect_vreg.gather [hbm4b:s3+s2], $0x80, v4, vm0, $0xb8;
	[tilespmem:$0x10080] =	vst v63  }
0x20: {  	v3 =	vperm.xlane v3, v2  }
0x21: {  	[tilespmem:s20], [sflag:$0x1] =	stream.indirect_vreg.gather [hbm4b:s4+s2], $0x80, v4, vm0, $0xb8;
	[tilespmem:$0x10080] =	vst v63  }
0x22: {  	v3 =	vadd.s32 v1, v3  }
0x23: {  	[tilespmem:s21], [sflag:$0x1] =	stream.indirect_vreg.gather [hbm4b:s5+s2], $0x80, v4, vm0, $0xb8;
	[tilespmem:$0x10080] =	vst v63  }
0x24: {  	_ = 	snop  }
0x25: {  	[tilespmem:s22], [sflag:$0x1] =	stream.indirect_vreg.gather [hbm4b:s6+s2], $0x80, v4, vm0, $0xb8;
	[tilespmem:$0x10080] =	vst v63  }
0x26: {  	_ = 	snop  }
0x27: {  	[tilespmem:s23], [sflag:$0x1] =	stream.indirect_vreg.gather [hbm4b:s3+s2], $0x80, v3, vm0, $0xb8;
	[tilespmem:$0x10080] =	vst v63  }
0x28: {  	_ = 	snop  }
0x29: {  	[tilespmem:s24], [sflag:$0x1] =	stream.indirect_vreg.gather [hbm4b:s4+s2], $0x80, v3, vm0, $0xb8;
	[tilespmem:$0x10080] =	vst v63  }
0x2a: {  	_ = 	snop  }
0x2b: {  	[tilespmem:s25], [sflag:$0x1] =	stream.indirect_vreg.gather [hbm4b:s5+s2], $0x80, v3, vm0, $0xb8;
	[tilespmem:$0x10080] =	vst v63  }
0x2c: {  	_ = 	snop  }
0x2d: {  	[tilespmem:s26], [sflag:$0x1] =	stream.indirect_vreg.gather [hbm4b:s6+s2], $0x80, v3, vm0, $0xb8;
	[tilespmem:$0x10080] =	vst v63  }
0x2e: {  	v3 =	vld [tilespmem:$0x10];
	_ =	sdelay $0x4  }
0x2f: {  	v57 =	vshll.u32 v3, $0x3  }
0x30: {  	v3 =	vand.u32 $0x7, v3;
	v4 =	vand.u32 $0xFFFFFFC0, v57  }
0x31: {  	v3 =	vor.u32 v3, v4  }
0x32: {  	v4 =	vperm.xlane v3, v0;
	_ =	sdelay $0x1  }
0x33: {  	v4 =	vadd.s32 v1, v4;
	_ =	sdelay $0x4  }
0x34: {  	[tilespmem:s28], [sflag:$0x1] =	stream.indirect_vreg.gather [hbm4b:s3+s2], $0x80, v4, vm0, $0xb8;
	[tilespmem:$0x10080] =	vst v63  }
0x35: {  	v3 =	vperm.xlane v3, v2  }
0x36: {  	[tilespmem:s29], [sflag:$0x1] =	stream.indirect_vreg.gather [hbm4b:s4+s2], $0x80, v4, vm0, $0xb8;
	[tilespmem:$0x10080] =	vst v63  }
0x37: {  	v3 =	vadd.s32 v1, v3  }
0x38: {  	[tilespmem:s30], [sflag:$0x1] =	stream.indirect_vreg.gather [hbm4b:s5+s2], $0x80, v4, vm0, $0xb8;
	[tilespmem:$0x10080] =	vst v63  }
0x39: {  	_ = 	snop  }
0x3a: {  	[tilespmem:s31], [sflag:$0x1] =	stream.indirect_vreg.gather [hbm4b:s6+s2], $0x80, v4, vm0, $0xb8;
	[tilespmem:$0x10080] =	vst v63  }
0x3b: {  	s1 =	simm.s32 $0x6080  }
0x3c: {  	[tilespmem:s1], [sflag:$0x1] =	stream.indirect_vreg.gather [hbm4b:s3+s2], $0x80, v3, vm0, $0xb8;
	[tilespmem:$0x10080] =	vst v63  }
0x3d: {  	s1 =	simm.s32 $0x6880  }
0x3e: {  	[tilespmem:s1], [sflag:$0x1] =	stream.indirect_vreg.gather [hbm4b:s4+s2], $0x80, v3, vm0, $0xb8;
	[tilespmem:$0x10080] =	vst v63  }
0x3f: {  	_ = 	snop  }
0x40: {  	[tilespmem:s10], [sflag:$0x1] =	stream.indirect_vreg.gather [hbm4b:s5+s2], $0x80, v3, vm0, $0xb8;
	[tilespmem:$0x10080] =	vst v63  }
0x41: {  	_ = 	snop  }
0x42: {  	[tilespmem:s11], [sflag:$0x1] =	stream.indirect_vreg.gather [hbm4b:s6+s2], $0x80, v3, vm0, $0xb8;
	[tilespmem:$0x10080] =	vst v63  }
0x43: {  	v3 =	vld [tilespmem:$0x20];
	_ =	sdelay $0x4  }
0x44: {  	v58 =	vshll.u32 v3, $0x3  }
0x45: {  	v3 =	vand.u32 $0x7, v3;
	v4 =	vand.u32 $0xFFFFFFC0, v58  }
0x46: {  	v3 =	vor.u32 v3, v4  }
0x47: {  	v4 =	vperm.xlane v3, v0;
	_ =	sdelay $0x1  }
0x48: {  	v4 =	vadd.s32 v1, v4;
	_ =	sdelay $0x4  }
0x49: {  	[tilespmem:s12], [sflag:$0x1] =	stream.indirect_vreg.gather [hbm4b:s3+s2], $0x80, v4, vm0, $0xb8;
	[tilespmem:$0x10080] =	vst v63  }
0x4a: {  	v3 =	vperm.xlane v3, v2  }
0x4b: {  	[tilespmem:s13], [sflag:$0x1] =	stream.indirect_vreg.gather [hbm4b:s4+s2], $0x80, v4, vm0, $0xb8;
	[tilespmem:$0x10080] =	vst v63  }
0x4c: {  	v3 =	vadd.s32 v1, v3  }
0x4d: {  	[tilespmem:s14], [sflag:$0x1] =	stream.indirect_vreg.gather [hbm4b:s5+s2], $0x80, v4, vm0, $0xb8;
	[tilespmem:$0x10080] =	vst v63  }
0x4e: {  	_ = 	snop  }
0x4f: {  	[tilespmem:s15], [sflag:$0x1] =	stream.indirect_vreg.gather [hbm4b:s6+s2], $0x80, v4, vm0, $0xb8;
	[tilespmem:$0x10080] =	vst v63  }
0x50: {  	_ = 	snop  }
0x51: {  	[tilespmem:s16], [sflag:$0x1] =	stream.indirect_vreg.gather [hbm4b:s3+s2], $0x80, v3, vm0, $0xb8;
	[tilespmem:$0x10080] =	vst v63  }
0x52: {  	_ = 	snop  }
0x53: {  	[tilespmem:s17], [sflag:$0x1] =	stream.indirect_vreg.gather [hbm4b:s4+s2], $0x80, v3, vm0, $0xb8;
	[tilespmem:$0x10080] =	vst v63  }
0x54: {  	_ = 	snop  }
0x55: {  	[tilespmem:s9], [sflag:$0x1] =	stream.indirect_vreg.gather [hbm4b:s5+s2], $0x80, v3, vm0, $0xb8;
	[tilespmem:$0x10080] =	vst v63  }
0x56: {  	s19 =	simm.s32 $0xB880  }
0x57: {  	[tilespmem:s19], [sflag:$0x1] =	stream.indirect_vreg.gather [hbm4b:s6+s2], $0x80, v3, vm0, $0xb8;
	[tilespmem:$0x10080] =	vst v63  }
0x58: {  	v3 =	vld [tilespmem:$0x30];
	_ =	sdelay $0x4  }
0x59: {  	v59 =	vshll.u32 v3, $0x3  }
0x5a: {  	v3 =	vand.u32 $0x7, v3;
	v4 =	vand.u32 $0xFFFFFFC0, v59  }
0x5b: {  	v3 =	vor.u32 v3, v4  }
0x5c: {  	v4 =	vperm.xlane v3, v0;
	_ =	sdelay $0x1  }
0x5d: {  	v4 =	vadd.s32 v1, v4;
	_ =	sdelay $0x3  }
0x5e: {  	s19 =	simm.s32 $0xC080  }
0x5f: {  	[tilespmem:s19], [sflag:$0x1] =	stream.indirect_vreg.gather [hbm4b:s3+s2], $0x80, v4, vm0, $0xb8;
	[tilespmem:$0x10080] =	vst v63  }
0x60: {  	v3 =	vperm.xlane v3, v2;
	s19 =	simm.s32 $0xC880  }
0x61: {  	[tilespmem:s19], [sflag:$0x1] =	stream.indirect_vreg.gather [hbm4b:s4+s2], $0x80, v4, vm0, $0xb8;
	[tilespmem:$0x10080] =	vst v63  }
0x62: {  	v3 =	vadd.s32 v1, v3;
	s19 =	simm.s32 $0xD080  }
0x63: {  	[tilespmem:s19], [sflag:$0x1] =	stream.indirect_vreg.gather [hbm4b:s5+s2], $0x80, v4, vm0, $0xb8;
	[tilespmem:$0x10080] =	vst v63  }
0x64: {  	s19 =	simm.s32 $0xD880  }
0x65: {  	[tilespmem:s19], [sflag:$0x1] =	stream.indirect_vreg.gather [hbm4b:s6+s2], $0x80, v4, vm0, $0xb8;
	[tilespmem:$0x10080] =	vst v63  }
0x66: {  	s19 =	simm.s32 $0xE080  }
0x67: {  	[tilespmem:s19], [sflag:$0x1] =	stream.indirect_vreg.gather [hbm4b:s3+s2], $0x80, v3, vm0, $0xb8;
	[tilespmem:$0x10080] =	vst v63  }
0x68: {  	s19 =	simm.s32 $0xE880  }
0x69: {  	[tilespmem:s19], [sflag:$0x1] =	stream.indirect_vreg.gather [hbm4b:s4+s2], $0x80, v3, vm0, $0xb8;
	[tilespmem:$0x10080] =	vst v63  }
0x6a: {  	s19 =	simm.s32 $0xF080  }
0x6b: {  	[tilespmem:s19], [sflag:$0x1] =	stream.indirect_vreg.gather [hbm4b:s5+s2], $0x80, v3, vm0, $0xb8;
	[tilespmem:$0x10080] =	vst v63  }
0x6c: {  	s19 =	simm.s32 $0xF880  }
0x6d: {  	[tilespmem:s19], [sflag:$0x1] =	stream.indirect_vreg.gather [hbm4b:s6+s2], $0x80, v3, vm0, $0xb8;
	[tilespmem:$0x10080] =	vst v63  }
0x6e: {  	_ =	swait.ge [sflag:s18], $0x10000  }
0x6f: {  	[sflag:s18] =	ssyncset.done $0x0  }
0x70: {  	s19 =	rddreg [dreg:$0x4];
	[sflag:s18] =	ssyncadd.s32 $0xFFFF0000  }
0x71: {  	[hbm4b:s19+s2] =	stream.linear.scatter [tilespmem:s0], [sflag:$0x2], $0x10000, $0x38;
	[tilespmem:$0x10080] =	vst v63  }
0x72: {  	_ =	swait.ge [sflag:s8], $0x10000  }
0x73: {  	[sflag:s8] =	ssyncset.done $0x0  }
0x74: {  	s19 =	rddreg [dreg:$0x5];
	[sflag:s8] =	ssyncadd.s32 $0xFFFF0000  }
0x75: {  	[tilespmem:s2], [sflag:$0x2] =	stream.linear.gather [hbm4b:s19+s2], $0x40, $0x38;
	[tilespmem:$0x10080] =	vst v63  }
0x76: {  	_ =	swait.ge [sflag:s8], $0x40  }
0x77: {  	[sflag:s8] =	ssyncset.done $0x0  }
0x78: {  	[sflag:s8] =	ssyncadd.s32 $0xFFFFFFC0  }
0x79: {  	v3 =	vld [tilespmem:$0x0];
	_ =	sdelay $0x4  }
0x7a: {  	v60 =	vshll.u32 v3, $0x3  }
0x7b: {  	v3 =	vand.u32 $0x7, v3;
	v4 =	vand.u32 $0xFFFFFFC0, v60  }
0x7c: {  	v3 =	vor.u32 v3, v4  }
0x7d: {  	v4 =	vperm.xlane v3, v0;
	_ =	sdelay $0x1  }
0x7e: {  	v4 =	vadd.s32 v1, v4;
	_ =	sdelay $0x4  }
0x7f: {  	[tilespmem:s0], [sflag:$0x1] =	stream.indirect_vreg.gather [hbm4b:s3+s2], $0x80, v4, vm0, $0xb8;
	[tilespmem:$0x10080] =	vst v63  }
0x80: {  	v3 =	vperm.xlane v3, v2  }
0x81: {  	[tilespmem:s20], [sflag:$0x1] =	stream.indirect_vreg.gather [hbm4b:s4+s2], $0x80, v4, vm0, $0xb8;
	[tilespmem:$0x10080] =	vst v63  }
0x82: {  	v3 =	vadd.s32 v1, v3  }
0x83: {  	[tilespmem:s21], [sflag:$0x1] =	stream.indirect_vreg.gather [hbm4b:s5+s2], $0x80, v4, vm0, $0xb8;
	[tilespmem:$0x10080] =	vst v63  }
0x84: {  	_ = 	snop  }
0x85: {  	[tilespmem:s22], [sflag:$0x1] =	stream.indirect_vreg.gather [hbm4b:s6+s2], $0x80, v4, vm0, $0xb8;
	[tilespmem:$0x10080] =	vst v63  }
0x86: {  	_ = 	snop  }
0x87: {  	[tilespmem:s23], [sflag:$0x1] =	stream.indirect_vreg.gather [hbm4b:s3+s2], $0x80, v3, vm0, $0xb8;
	[tilespmem:$0x10080] =	vst v63  }
0x88: {  	_ = 	snop  }
0x89: {  	[tilespmem:s24], [sflag:$0x1] =	stream.indirect_vreg.gather [hbm4b:s4+s2], $0x80, v3, vm0, $0xb8;
	[tilespmem:$0x10080] =	vst v63  }
0x8a: {  	_ = 	snop  }
0x8b: {  	[tilespmem:s25], [sflag:$0x1] =	stream.indirect_vreg.gather [hbm4b:s5+s2], $0x80, v3, vm0, $0xb8;
	[tilespmem:$0x10080] =	vst v63  }
0x8c: {  	_ = 	snop  }
0x8d: {  	[tilespmem:s26], [sflag:$0x1] =	stream.indirect_vreg.gather [hbm4b:s6+s2], $0x80, v3, vm0, $0xb8;
	[tilespmem:$0x10080] =	vst v63  }
0x8e: {  	v3 =	vld [tilespmem:$0x10];
	_ =	sdelay $0x4  }
0x8f: {  	v61 =	vshll.u32 v3, $0x3  }
0x90: {  	v3 =	vand.u32 $0x7, v3;
	v4 =	vand.u32 $0xFFFFFFC0, v61  }
0x91: {  	v3 =	vor.u32 v3, v4  }
0x92: {  	v4 =	vperm.xlane v3, v0;
	_ =	sdelay $0x1  }
0x93: {  	v4 =	vadd.s32 v1, v4;
	_ =	sdelay $0x4  }
0x94: {  	[tilespmem:s28], [sflag:$0x1] =	stream.indirect_vreg.gather [hbm4b:s3+s2], $0x80, v4, vm0, $0xb8;
	[tilespmem:$0x10080] =	vst v63  }
0x95: {  	v3 =	vperm.xlane v3, v2  }
0x96: {  	[tilespmem:s29], [sflag:$0x1] =	stream.indirect_vreg.gather [hbm4b:s4+s2], $0x80, v4, vm0, $0xb8;
	[tilespmem:$0x10080] =	vst v63  }
0x97: {  	v3 =	vadd.s32 v1, v3  }
0x98: {  	[tilespmem:s30], [sflag:$0x1] =	stream.indirect_vreg.gather [hbm4b:s5+s2], $0x80, v4, vm0, $0xb8;
	[tilespmem:$0x10080] =	vst v63  }
0x99: {  	_ = 	snop  }
0x9a: {  	[tilespmem:s31], [sflag:$0x1] =	stream.indirect_vreg.gather [hbm4b:s6+s2], $0x80, v4, vm0, $0xb8;
	[tilespmem:$0x10080] =	vst v63  }
0x9b: {  	s19 =	simm.s32 $0x6080  }
0x9c: {  	[tilespmem:s19], [sflag:$0x1] =	stream.indirect_vreg.gather [hbm4b:s3+s2], $0x80, v3, vm0, $0xb8;
	[tilespmem:$0x10080] =	vst v63  }
0x9d: {  	_ = 	snop  }
0x9e: {  	[tilespmem:s1], [sflag:$0x1] =	stream.indirect_vreg.gather [hbm4b:s4+s2], $0x80, v3, vm0, $0xb8;
	[tilespmem:$0x10080] =	vst v63  }
0x9f: {  	_ = 	snop  }
0xa0: {  	[tilespmem:s10], [sflag:$0x1] =	stream.indirect_vreg.gather [hbm4b:s5+s2], $0x80, v3, vm0, $0xb8;
	[tilespmem:$0x10080] =	vst v63  }
0xa1: {  	_ = 	snop  }
0xa2: {  	[tilespmem:s11], [sflag:$0x1] =	stream.indirect_vreg.gather [hbm4b:s6+s2], $0x80, v3, vm0, $0xb8;
	[tilespmem:$0x10080] =	vst v63  }
0xa3: {  	v3 =	vld [tilespmem:$0x20];
	_ =	sdelay $0x4  }
0xa4: {  	v62 =	vshll.u32 v3, $0x3  }
0xa5: {  	v3 =	vand.u32 $0x7, v3;
	v4 =	vand.u32 $0xFFFFFFC0, v62  }
0xa6: {  	v3 =	vor.u32 v3, v4  }
0xa7: {  	v4 =	vperm.xlane v3, v0;
	_ =	sdelay $0x1  }
0xa8: {  	v4 =	vadd.s32 v1, v4;
	_ =	sdelay $0x4  }
0xa9: {  	[tilespmem:s12], [sflag:$0x1] =	stream.indirect_vreg.gather [hbm4b:s3+s2], $0x80, v4, vm0, $0xb8;
	[tilespmem:$0x10080] =	vst v63  }
0xaa: {  	v3 =	vperm.xlane v3, v2  }
0xab: {  	[tilespmem:s13], [sflag:$0x1] =	stream.indirect_vreg.gather [hbm4b:s4+s2], $0x80, v4, vm0, $0xb8;
	[tilespmem:$0x10080] =	vst v63  }
0xac: {  	v3 =	vadd.s32 v1, v3  }
0xad: {  	[tilespmem:s14], [sflag:$0x1] =	stream.indirect_vreg.gather [hbm4b:s5+s2], $0x80, v4, vm0, $0xb8;
	[tilespmem:$0x10080] =	vst v63  }
0xae: {  	_ = 	snop  }
0xaf: {  	[tilespmem:s15], [sflag:$0x1] =	stream.indirect_vreg.gather [hbm4b:s6+s2], $0x80, v4, vm0, $0xb8;
	[tilespmem:$0x10080] =	vst v63  }
0xb0: {  	_ = 	snop  }
0xb1: {  	[tilespmem:s16], [sflag:$0x1] =	stream.indirect_vreg.gather [hbm4b:s3+s2], $0x80, v3, vm0, $0xb8;
	[tilespmem:$0x10080] =	vst v63  }
0xb2: {  	_ = 	snop  }
0xb3: {  	[tilespmem:s17], [sflag:$0x1] =	stream.indirect_vreg.gather [hbm4b:s4+s2], $0x80, v3, vm0, $0xb8;
	[tilespmem:$0x10080] =	vst v63  }
0xb4: {  	_ = 	snop  }
0xb5: {  	[tilespmem:s9], [sflag:$0x1] =	stream.indirect_vreg.gather [hbm4b:s5+s2], $0x80, v3, vm0, $0xb8;
	[tilespmem:$0x10080] =	vst v63  }
0xb6: {  	s19 =	simm.s32 $0xB880  }
0xb7: {  	[tilespmem:s19], [sflag:$0x1] =	stream.indirect_vreg.gather [hbm4b:s6+s2], $0x80, v3, vm0, $0xb8;
	[tilespmem:$0x10080] =	vst v63  }
0xb8: {  	v3 =	vld [tilespmem:$0x30];
	_ =	sdelay $0x4  }
0xb9: {  	v63 =	vshll.u32 v3, $0x3  }
0xba: {  	v3 =	vand.u32 $0x7, v3;
	v4 =	vand.u32 $0xFFFFFFC0, v63  }
0xbb: {  	v3 =	vor.u32 v3, v4  }
0xbc: {  	v4 =	vperm.xlane v3, v0;
	_ =	sdelay $0x1  }
0xbd: {  	v4 =	vadd.s32 v1, v4;
	_ =	sdelay $0x3  }
0xbe: {  	s19 =	simm.s32 $0xC080  }
0xbf: {  	[tilespmem:s19], [sflag:$0x1] =	stream.indirect_vreg.gather [hbm4b:s3+s2], $0x80, v4, vm0, $0xb8;
	[tilespmem:$0x10080] =	vst v63  }
0xc0: {  	v3 =	vperm.xlane v3, v2;
	s19 =	simm.s32 $0xC880  }
0xc1: {  	[tilespmem:s19], [sflag:$0x1] =	stream.indirect_vreg.gather [hbm4b:s4+s2], $0x80, v4, vm0, $0xb8;
	[tilespmem:$0x10080] =	vst v63  }
0xc2: {  	v3 =	vadd.s32 v1, v3;
	s19 =	simm.s32 $0xD080  }
0xc3: {  	[tilespmem:s19], [sflag:$0x1] =	stream.indirect_vreg.gather [hbm4b:s5+s2], $0x80, v4, vm0, $0xb8;
	[tilespmem:$0x10080] =	vst v63  }
0xc4: {  	s19 =	simm.s32 $0xD880  }
0xc5: {  	[tilespmem:s19], [sflag:$0x1] =	stream.indirect_vreg.gather [hbm4b:s6+s2], $0x80, v4, vm0, $0xb8;
	[tilespmem:$0x10080] =	vst v63  }
0xc6: {  	s19 =	simm.s32 $0xE080  }
0xc7: {  	[tilespmem:s19], [sflag:$0x1] =	stream.indirect_vreg.gather [hbm4b:s3+s2], $0x80, v3, vm0, $0xb8;
	[tilespmem:$0x10080] =	vst v63  }
0xc8: {  	s19 =	simm.s32 $0xE880  }
0xc9: {  	[tilespmem:s19], [sflag:$0x1] =	stream.indirect_vreg.gather [hbm4b:s4+s2], $0x80, v3, vm0, $0xb8;
	[tilespmem:$0x10080] =	vst v63  }
0xca: {  	s19 =	simm.s32 $0xF080  }
0xcb: {  	[tilespmem:s19], [sflag:$0x1] =	stream.indirect_vreg.gather [hbm4b:s5+s2], $0x80, v3, vm0, $0xb8;
	[tilespmem:$0x10080] =	vst v63  }
0xcc: {  	s19 =	simm.s32 $0xF880  }
0xcd: {  	[tilespmem:s19], [sflag:$0x1] =	stream.indirect_vreg.gather [hbm4b:s6+s2], $0x80, v3, vm0, $0xb8;
	[tilespmem:$0x10080] =	vst v63  }
0xce: {  	_ =	swait.ge [sflag:s18], $0x10000  }
0xcf: {  	p0 =	sne.s32 s7, $0x1;
	[sflag:s18] =	ssyncset.done $0x0  }
.Ltmp0:
0xd0: {  	s1 =	rddreg [dreg:$0x6];
	[sflag:s18] =	ssyncadd.s32 $0xFFFF0000;
	(pc) =	sbr.rel @p0 .LBB2_1-.Ltmp0, $4  }
0xd1: {  	[hbm4b:s1+s2] =	stream.linear.scatter [tilespmem:s0], [sflag:$0x2], $0x10000, $0x38;
	[tilespmem:$0x10080] =	vst v63  }
0xd2: {  	_ =	swait.ge [sflag:s8], $0x10000  }
0xd3: {  	[sflag:s8] =	ssyncset.done $0x0  }
0xd4: {  	s7 =	sadd.s32 $0xFFFFFFFF, s7;
	[sflag:s8] =	ssyncadd.s32 $0xFFFF0000  }
0xd5: {  	_ =	sfence.sel $0x180000  }
0xd6: {  	[bflag:$0x0] =	sbarrier.arrive $0xFFFF  }
0xd7: {  	_ =	strace $0x9000004A  }
0xd8: {  	s0 =	stileid.u32;
	[bflag:$0x2] =	sbarrier.arrive $0xFFFF  }
0xd9: {  	p0 =	sne.s32 s0, $0x0;
	s0 =	rddreg [dreg:$0x2]  }
0xda: {  	s0 =	sadd.s32 @!p0 $0x100000, s0  }
0xdb: {  	[sflag:s0] =	ssyncadd.tile.s32 @!p0 $0x1;
	_ =	shalt  }
.Lfunc_end2:
_tile_overlayer_lowered:
.L_overlay_start_2:
0xdc: {  	(tag) =	ssettag $0x2  }
0xdd: {  	s0 =	rddreg [dreg:$0x0];
	s2 =	stileid.u32  }
0xde: {  	s1 =	rddreg [dreg:$0x1];
	p0 =	sne.s32 s2, $0x0  }
0xdf: {  	s3 =	rddreg [dreg:$0x2];
	[bflag:$0x3] =	sbarrier.arrive $0xFFFF;
	s2 =	simm.s32 @!p0 $0x1C02  }
0xe0: {  	[timem:s3], [sflag:s2] =	dma.local @!p0 [hbm:s0], s1  }
0xe1: {  	s0 =	simm.s32 @!p0 $0x2  }
0xe2: {  	_ =	swait.ge @!p0 [sflag:s0], s1  }
0xe3: {  	s1 =	ssub.s32 @!p0 $0x0, s1;
	[sflag:s0] =	ssyncset.done @!p0 $0x0  }
0xe4: {  	[sflag:s0] =	ssyncadd.s32 @!p0 s1  }
0xe5: {  	[bflag:$0x3] =	sbarrier.arrive $0xFFFF  }
0xe6: {  	_ =	shalt  }

// kernel: kernel.7.cloned.1.call-start
scs
__scs_entry_jumppad:
0x0: {  	(pc) =	sbr.rel $0x88, $3  }
0x1: {  	(tag) =	ssettag $0x0;
	lr =	simm.s32 $0x1  }
0x2: {  	[smem:$0x3F99] =	sst lr;
	_ =	strace $0xD0000000  }
0x3: {  	_ = 	snop  }
0x4: {  	_ = 	snop  }
0x5: {  	_ = 	snop  }
0x6: {  	_ = 	snop  }
0x7: {  	_ = 	snop  }
__scs_overlays_trampoline_lowered:
0x8: {  	[smem:$0x3FA8] =	sst s0  }
0x9: {  	[smem:$0x3FA9] =	sst s1  }
0xa: {  	[smem:$0x3FAA] =	sst s2  }
0xb: {  	[smem:$0x3FAB] =	sst s3  }
0xc: {  	[smem:$0x3FAC] =	sst s4  }
0xd: {  	[smem:$0x3FAD] =	sst s5  }
0xe: {  	[smem:$0x3FAE] =	sst s6  }
0xf: {  	[smem:$0x3FAF] =	sst s7  }
0x10: {  	[smem:$0x3FB0] =	sst s8  }
0x11: {  	[smem:$0x3FB1] =	sst s9;
	s0 =	simm.s32 @!p0 $0x0  }
0x12: {  	s1 =	sld [smem:$0x3F97];
	s0 =	simm.s32 @p0 $0x1  }
0x13: {  	[smem:$0x3FB2] =	sst s0;
	s0 =	simm.s32 @!p1 $0x0  }
0x14: {  	s2 =	sld [smem:$0x3F96];
	s0 =	simm.s32 @p1 $0x1  }
0x15: {  	[smem:$0x3FB3] =	sst s0;
	s0 =	simm.s32 @!p2 $0x0  }
0x16: {  	s3 =	sld [smem:$0x3FDB];
	s0 =	simm.s32 @p2 $0x1  }
0x17: {  	s4 =	simm.s32 $0x1BF5;
	[smem:$0x3FB5] =	sst s0  }
0x18: {  	s0 =	sld [smem:$0x3F98];
	_ =	swait.ge [sflag:s4], $0x0  }
0x19: {  	s7 =	sld [smem:$0x3F99]  }
0x1a: {  	s8 =	sadd.s32 $0xFFFFE003, lr  }
0x1b: {  	s9 =	sadd.s32 $0xFFFFFEF7, lr;
	s5 =	simm.s32 $0xFFFFFFFF;
	p2 =	slt.u32 s8, $0xFFFFF086  }
0x1c: {  	p1 =	slt.u32 s9, $0xF7A;
	s5 =	simm.s32 @!p2 $0x0  }
0x1d: {  	s5 =	simm.s32 @p1 $0x1;
	p0 =	seq.s32 s7, s2  }
0x1e: {  	s7 =	smul.u32 @!p0 $0xF7A, s2;
	p2 =	seq.s32 @!p0 s5, $0x0  }
0x1f: {  	s9 =	smul.u32 $0xF7A, s1;
	s8 =	simm.s32 @!p0 $0x1BF5;
	p2 =	por !p2, p0  }
0x20: {  	[sflag:s8] =	ssyncset.s32 @!p0 $0xFFFFF086;
	s6 =	sadd.s32 @!p0 s3, s7;
	s7 =	simm.s32 @!p0 $0x108  }
0x21: {  	s3 =	sadd.s32 s3, s9;
	s6 =	sadd.s32 @!p0 $0x88, s6;
	s7 =	simm.s32 @p2 $0x1082  }
0x22: {  	[simem:s7], [sflag:s8] =	dma.local @!p0 [hbm:s6], $0xF7A  }
0x23: {  	s9 =	sor.u32 $0xD0000000, s2;
	s6 =	simm.s32 $0x108;
	_ =	swait.ge @!p0 [sflag:s8], $0x0  }
0x24: {  	s3 =	sadd.s32 $0x88, s3;
	s6 =	simm.s32 @!p1 $0x1082;
	[sflag:s4] =	ssyncset.s32 $0xFFFFF086  }
0x25: {  	[simem:s6], [sflag:s4] =	dma.local [hbm:s3], $0xF7A  }
0x26: {  	[smem:$0x3F99] =	sst s1;
	(tag) =	ssettag s2;
	_ =	strace s9  }
0x27: {  	s1 =	sld [smem:$0x3FA9]  }
0x28: {  	s2 =	sld [smem:$0x3FAA]  }
0x29: {  	s4 =	sld [smem:$0x3FAC]  }
0x2a: {  	p0 =	seq.s32 s5, $0x0;
	s5 =	sld [smem:$0x3FAD]  }
0x2b: {  	s6 =	sld [smem:$0x3FAE]  }
0x2c: {  	s7 =	sld [smem:$0x3FAF]  }
0x2d: {  	s3 =	simm.s32 $0x108;
	s8 =	sld [smem:$0x3FB0]  }
0x2e: {  	s3 =	simm.s32 @!p0 $0x1082;
	s9 =	sld [smem:$0x3FB1]  }
0x2f: {  	lr =	sadd.s32 s0, s3;
	s0 =	sld [smem:$0x3FA8]  }
0x30: {  	s3 =	sld [smem:$0x3FAB]  }
0x31: {  	[smem:$0x3FB4] =	sst s10  }
0x32: {  	s10 =	sld [smem:$0x3FB2];
	_ =	sdelay $0x3  }
0x33: {  	p0 =	seq.s32 s10, $0x1;
	s10 =	sld [smem:$0x3FB4];
	_ =	sdelay $0x3  }
0x34: {  	[smem:$0x3FB4] =	sst s10  }
0x35: {  	s10 =	sld [smem:$0x3FB3];
	_ =	sdelay $0x3  }
0x36: {  	p1 =	seq.s32 s10, $0x1;
	s10 =	sld [smem:$0x3FB4];
	_ =	sdelay $0x3  }
0x37: {  	[smem:$0x3FB4] =	sst s10  }
0x38: {  	s10 =	sld [smem:$0x3FB5]  }
0x39: {  	_ = 	snop;
	(pc) =	sbr.ind lr, $3  }
0x3a: {  	_ = 	snop  }
0x3b: {  	_ = 	snop  }
0x3c: {  	p2 =	seq.s32 s10, $0x1;
	s10 =	sld [smem:$0x3FB4]  }
0x3d: {  	_ =	shalt  }
0x3e: {  	_ =	shalt  }
0x3f: {  	_ =	shalt  }
0x40: {  	_ =	shalt  }
0x41: {  	_ =	shalt  }
0x42: {  	_ =	shalt  }
0x43: {  	_ =	shalt  }
0x44: {  	_ =	shalt  }
0x45: {  	_ =	shalt  }
0x46: {  	_ =	shalt  }
0x47: {  	_ =	shalt  }
0x48: {  	_ =	shalt  }
0x49: {  	_ =	shalt  }
0x4a: {  	_ =	shalt  }
0x4b: {  	_ =	shalt  }
0x4c: {  	_ =	shalt  }
0x4d: {  	_ =	shalt  }
0x4e: {  	_ =	shalt  }
0x4f: {  	_ =	shalt  }
0x50: {  	_ =	shalt  }
0x51: {  	_ =	shalt  }
0x52: {  	_ =	shalt  }
0x53: {  	_ =	shalt  }
0x54: {  	_ =	shalt  }
0x55: {  	_ =	shalt  }
0x56: {  	_ =	shalt  }
0x57: {  	_ =	shalt  }
0x58: {  	_ =	shalt  }
0x59: {  	_ =	shalt  }
0x5a: {  	_ =	shalt  }
0x5b: {  	_ =	shalt  }
0x5c: {  	_ =	shalt  }
0x5d: {  	_ =	shalt  }
0x5e: {  	_ =	shalt  }
0x5f: {  	_ =	shalt  }
0x60: {  	_ =	shalt  }
0x61: {  	_ =	shalt  }
0x62: {  	_ =	shalt  }
0x63: {  	_ =	shalt  }
0x64: {  	_ =	shalt  }
0x65: {  	_ =	shalt  }
0x66: {  	_ =	shalt  }
0x67: {  	_ =	shalt  }
0x68: {  	_ =	shalt  }
0x69: {  	_ =	shalt  }
0x6a: {  	_ =	shalt  }
0x6b: {  	_ =	shalt  }
0x6c: {  	_ =	shalt  }
0x6d: {  	_ =	shalt  }
0x6e: {  	_ =	shalt  }
0x6f: {  	_ =	shalt  }
0x70: {  	_ =	shalt  }
0x71: {  	_ =	shalt  }
0x72: {  	_ =	shalt  }
0x73: {  	_ =	shalt  }
0x74: {  	_ =	shalt  }
0x75: {  	_ =	shalt  }
0x76: {  	_ =	shalt  }
0x77: {  	_ =	shalt  }
0x78: {  	_ =	shalt  }
0x79: {  	_ =	shalt  }
0x7a: {  	_ =	shalt  }
0x7b: {  	_ =	shalt  }
0x7c: {  	_ =	shalt  }
0x7d: {  	_ =	shalt  }
0x7e: {  	_ =	shalt  }
0x7f: {  	_ =	shalt  }
0x80: {  	_ =	shalt  }
0x81: {  	_ =	shalt  }
0x82: {  	_ =	shalt  }
0x83: {  	_ =	shalt  }
0x84: {  	_ =	shalt  }
0x85: {  	_ =	shalt  }
0x86: {  	_ =	shalt  }
0x87: {  	_ =	shalt  }
.Lfunc_end0:
.L_simem_size_0:
called_computation_lowered:
.L_overlay_start_0:
0x88: {  	s2 =	sld [smem:$0x3FD9]  }
0x89: {  	s3 =	sld [smem:$0x3FFE];
	_ =	sdelay $0x1  }
0x8a: {  	s1 =	srdreg.scid  }
0x8b: {  	s0 =	sand.u32 $0x1, s1  }
0x8c: {  	s17 =	sshll.u32 s0, $0xA;
	s2 =	sadd.s32 s3, s2  }
0x8d: {  	s2 =	sadd.s32 s2, s17  }
0x8e: {  	[smem:$0x3FC0] =	sst s2  }
0x8f: {  	_ = 	snop  }
0x90: {  	s2 =	sld [smem:$0x3FC9];
	(tm) =	ssettm $0x1  }
0x91: {  	s18 =	sld [smem:$0x3FFB];
	_ =	sdelay $0x3  }
0x92: {  	_ =	strace s18  }
0x93: {  	s3 =	sld [smem:$0x3FFC];
	_ =	sdelay $0x3  }
0x94: {  	_ =	strace s3  }
0x95: {  	s3 =	sld [smem:$0x3FFD];
	_ =	sdelay $0x3  }
0x96: {  	_ =	strace s3  }
0x97: {  	_ =	strace $0x8FFFFFFF  }
0x98: {  	s19 =	sld [smem:$0x3FDB];
	_ =	sdelay $0x1  }
0x99: {  	s4 =	simm.s32 $_scs_section_size  }
0x9a: {  	s5 =	simm.s32 $_size__tile_overlayer_lowered;
	s6 =	simm.s32 $_tile_overlayer_lowered  }
0x9b: {  	s22 =	simm.s32 $0x1BFF;
	s21 =	sshll.u32 s6, $0x1;
	s3 =	sadd.s32 s4, s19  }
0x9c: {  	s7 =	simm.s32 $0x0;
	s20 =	sshll.u32 s5, $0x1;
	s5 =	sadd.s32 s21, s3  }
0x9d: {  	[timem:s7], [sflag:s22] =	dma.local [hbm:s5], s20  }
0x9e: {  	_ =	swait.ge [sflag:s22], s20  }
0x9f: {  	s4 =	ssub.s32 $0x0, s20;
	[sflag:s22] =	ssyncset.done $0x0  }
0xa0: {  	[sflag:s22] =	ssyncadd.s32 s4;
	_ =	sdelay $0x1  }
0xa1: {  	s23 =	simm.s32 $0x1B8B  }
0xa2: {  	_ =	swait.ge [sflag:s23], $0x1  }
0xa3: {  	[sflag:s23] =	ssyncset.done $0x0  }
0xa4: {  	s25 =	simm.s32 $0x1B8E;
	s24 =	sld [smem:$0x3FFE];
	[sflag:s23] =	ssyncadd.s32 $0xFFFFFFFF  }
0xa5: {  	s26 =	simm.s32 $execute0_lowered;
	[smem:$0x3FD2] =	sst s25  }
0xa6: {  	s5 =	sshll.u32 s26, $0x1;
	_ =	strace $0x80000046;
	[dreg:$0x1] =	wrdreg $0xFFFFFFFF  }
0xa7: {  	s28 =	simm.s32 $_size_execute0_lowered;
	s3 =	sadd.s32 s3, s5;
	[dreg:$0x0] =	wrdreg $0x0  }
0xa8: {  	s5 =	sshll.u32 s28, $0x1;
	[dreg:$0x2] =	wrdreg s3  }
0xa9: {  	[dreg:$0x3] =	wrdreg s5  }
0xaa: {  	[dreg:$0x4] =	wrdreg $0xC0  }
0xab: {  	_ =	task [dreg:s7], $0x5FFFF  }
0xac: {  	[dreg:$0x1] =	wrdreg $0xFFFFFFFF  }
0xad: {  	[dreg:$0x0] =	wrdreg $0x60  }
0xae: {  	[dreg:$0x2] =	wrdreg s2  }
0xaf: {  	[dreg:$0x3] =	wrdreg s24  }
0xb0: {  	[dreg:$0x4] =	wrdreg $0x9  }
0xb1: {  	_ =	task.clear_ibuf [dreg:s7], $0x5FFFF;
	_ =	strace $0x90000046  }
0xb2: {  	s29 =	simm.s32 $0x9;
	_ =	strace $0x80000048  }
0xb3: {  	_ =	swait.ge [sflag:s29], $0x1  }
0xb4: {  	[sflag:s29] =	ssyncadd.s32 $0xFFFFFFFF  }
0xb5: {  	_ =	strace $0x90000048  }
0xb6: {  	_ =	sfence  }
0xb7: {  	s30 =	sld [smem:$0x0];
	_ =	sdelay $0x2  }
0xb8: {  	s31 =	sshll.u32 s1, $0xD;
	s1 =	sshrl.u32 s1, $0x2  }
0xb9: {  	s3 =	sand.u32 $0x4000, s31;
	s1 =	sadd.s32 s1, s30  }
0xba: {  	s0 =	sor.u32 s3, s0;
	s1 =	sshll.u32 s1, $0x11  }
0xbb: {  	s0 =	sor.u32 s1, s0  }
0xbc: {  	s0 =	sadd.s32 $0x8F2B, s0  }
0xbd: {  	[sflag:s0] =	ssyncadd.remote.s32 $0x1  }
0xbe: {  	_ =	sfence.sel $0xFFFF  }
0xbf: {  	[dreg:$0x0] =	wrdreg $0xFFFFFFFF;
	(pc) =	sbr.abs _section_cstart, $3  }
0xc0: {  	[dreg:$0x1] =	wrdreg $0xFFFFFFFF  }
0xc1: {  	_ =	task.clear_ibuf [dreg:s7], $0x2FFFF;
	_ =	strace $0x9FFFFFFF  }
0xc2: {  	(tm) =	ssettm $0x7FFFFFFF  }
0xc3: {  	_ =	shalt  }
tec
execute0_lowered:
.L_overlay_start_1:
0x0: {  	(tag) =	ssettag $0x1  }
0x1: {  	s0 =	rddreg [dreg:$0x0]  }
0x2: {  	s1 =	rddreg [dreg:$0x1]  }
0x3: {  	s2 =	srdreg.scid;
	s3 =	stileid.u32;
	s9 =	simm.s32 $0x2  }
0x4: {  	s26 =	simm.s32 $0x80;
	s21 =	simm.s32 $0x1900;
	s22 =	simm.s32 $0x2100  }
0x5: {  	s28 =	simm.s32 $0x4900;
	s29 =	simm.s32 $0x5100;
	s30 =	simm.s32 $0x5900  }
0x6: {  	s31 =	simm.s32 $0x6100;
	s10 =	simm.s32 $0x7900;
	s11 =	simm.s32 $0x8100  }
0x7: {  	s12 =	simm.s32 $0x8900;
	s13 =	simm.s32 $0x9100;
	s14 =	simm.s32 $0x9900  }
0x8: {  	s15 =	simm.s32 $0xA100;
	s16 =	simm.s32 $0xA900;
	s17 =	simm.s32 $0xB100  }
0x9: {  	s8 =	simm.s32 $0xB900;
	s4 =	sand.u32 $0x1, s2;
	s2 =	simm.s32 $0x0  }
0xa: {  	s3 =	sshll.u32 s3, $0x7;
	s5 =	sshll.u32 s4, $0x6;
	[smem:$0x7FF] =	sst s2  }
0xb: {  	s4 =	ssub.s32 $0x2, s4;
	s3 =	sor.u32 s5, s3;
	_ =	strace $0x80000047  }
0xc: {  	s24 =	sshrl.u32 s4, $0x1;
	[dreg:$0x6] =	wrdreg s26;
	s26 =	simm.s32 $0x4100  }
0xd: {  	s5 =	sshrl.u32 s3, $0x3;
	s6 =	sshll.u32 s3, $0x7;
	s3 =	sadd.s32 $0x9000, s1  }
0xe: {  	s7 =	ssub.s32 s4, s24;
	s4 =	sadd.s32 $0x9100, s1;
	s24 =	simm.s32 $0x3100  }
0xf: {  	s5 =	sadd.s32 s5, s1;
	s0 =	sadd.s32 s0, s6;
	s6 =	sadd.s32 $0x9300, s1  }
0x10: {  	v2 =	vlaneseq.u32;
	s7 =	smax.u32 s7, $0x1;
	[dreg:$0x3] =	wrdreg s0;
	s23 =	sadd.s32 $0x8E00, s5  }
0x11: {  	vm0 =	vmmov $0xffff;
	v1 =	vshrl.u32 v2, $0x3;
	s25 =	sadd.s32 $0x8F00, s5;
	s5 =	sadd.s32 $0x9200, s1;
	[dreg:$0x4] =	wrdreg s23  }
0x12: {  	v0 =	vand.u32 $0x7, v2;
	v2 =	vor.u32 $0x8, v2;
	v1 =	vmul.u32 $0x8, v1;
	[dreg:$0x5] =	wrdreg s25;
	s23 =	simm.s32 $0x2900;
	s25 =	simm.s32 $0x3900  }
.LBB2_1:
0x13: {  	s19 =	rddreg [dreg:$0x3];
	s18 =	simm.s32 $0x100  }
0x14: {  	[tilespmem:s18], [sflag:$0x2] =	stream.linear.gather [hbm4b:s19+s2], $0x10000, $0x38;
	[tilespmem:$0x10100] =	vst v63  }
0x15: {  	_ =	swait.ge [sflag:s9], $0x10000  }
0x16: {  	[sflag:s9] =	ssyncset.done $0x0  }
0x17: {  	s0 =	rddreg [dreg:$0x4];
	[sflag:s9] =	ssyncadd.s32 $0xFFFF0000  }
0x18: {  	[tilespmem:s2], [sflag:$0x2] =	stream.linear.gather [hbm4b:s0+s2], $0x40, $0x38;
	[tilespmem:$0x10100] =	vst v63  }
0x19: {  	_ =	swait.ge [sflag:s9], $0x40  }
0x1a: {  	s1 =	rddreg [dreg:$0x5];
	[sflag:s9] =	ssyncset.done $0x0  }
0x1b: {  	s20 =	rddreg [dreg:$0x6];
	[sflag:s9] =	ssyncadd.s32 $0xFFFFFFC0  }
0x1c: {  	[tilespmem:s20], [sflag:$0x2] =	stream.linear.gather [hbm4b:s1+s2], $0x40, $0x38;
	[tilespmem:$0x10100] =	vst v63  }
0x1d: {  	_ =	swait.ge [sflag:s9], $0x40  }
0x1e: {  	[sflag:s9] =	ssyncset.done $0x0  }
0x1f: {  	[sflag:s9] =	ssyncadd.s32 $0xFFFFFFC0  }
0x20: {  	v3 =	vld [tilespmem:$0x0];
	_ =	sdelay $0x4  }
0x21: {  	v4 =	vshll.u32 v3, $0x3  }
0x22: {  	v3 =	vand.u32 $0x7, v3;
	v4 =	vand.u32 $0xFFFFFFC0, v4  }
0x23: {  	v3 =	vor.u32 v3, v4  }
0x24: {  	v4 =	vperm.xlane v3, v0;
	_ =	sdelay $0x1  }
0x25: {  	v4 =	vadd.s32 v1, v4;
	_ =	sdelay $0x4  }
0x26: {  	[hbm4b:s3+s2] =	stream.indirect_vreg.scatter [tilespmem:s18], [sflag:$0x1], $0x80, v4, vm0, $0xb8;
	[tilespmem:$0x10100] =	vst v63  }
0x27: {  	s19 =	simm.s32 $0x900;
	v3 =	vperm.xlane v3, v2  }
0x28: {  	[hbm4b:s4+s2] =	stream.indirect_vreg.scatter [tilespmem:s19], [sflag:$0x1], $0x80, v4, vm0, $0xb8;
	[tilespmem:$0x10100] =	vst v63  }
0x29: {  	s20 =	simm.s32 $0x1100;
	v3 =	vadd.s32 v1, v3  }
0x2a: {  	[hbm4b:s5+s2] =	stream.indirect_vreg.scatter [tilespmem:s20], [sflag:$0x1], $0x80, v4, vm0, $0xb8;
	[tilespmem:$0x10100] =	vst v63  }
0x2b: {  	_ = 	snop  }
0x2c: {  	[hbm4b:s6+s2] =	stream.indirect_vreg.scatter [tilespmem:s21], [sflag:$0x1], $0x80, v4, vm0, $0xb8;
	[tilespmem:$0x10100] =	vst v63  }
0x2d: {  	_ = 	snop  }
0x2e: {  	[hbm4b:s3+s2] =	stream.indirect_vreg.scatter [tilespmem:s22], [sflag:$0x1], $0x80, v3, vm0, $0xb8;
	[tilespmem:$0x10100] =	vst v63  }
0x2f: {  	_ = 	snop  }
0x30: {  	[hbm4b:s4+s2] =	stream.indirect_vreg.scatter [tilespmem:s23], [sflag:$0x1], $0x80, v3, vm0, $0xb8;
	[tilespmem:$0x10100] =	vst v63  }
0x31: {  	_ = 	snop  }
0x32: {  	[hbm4b:s5+s2] =	stream.indirect_vreg.scatter [tilespmem:s24], [sflag:$0x1], $0x80, v3, vm0, $0xb8;
	[tilespmem:$0x10100] =	vst v63  }
0x33: {  	_ = 	snop  }
0x34: {  	[hbm4b:s6+s2] =	stream.indirect_vreg.scatter [tilespmem:s25], [sflag:$0x1], $0x80, v3, vm0, $0xb8;
	[tilespmem:$0x10100] =	vst v63  }
0x35: {  	v3 =	vld [tilespmem:$0x10];
	_ =	sdelay $0x4  }
0x36: {  	v57 =	vshll.u32 v3, $0x3  }
0x37: {  	v3 =	vand.u32 $0x7, v3;
	v4 =	vand.u32 $0xFFFFFFC0, v57  }
0x38: {  	v3 =	vor.u32 v3, v4  }
0x39: {  	v4 =	vperm.xlane v3, v0;
	_ =	sdelay $0x1  }
0x3a: {  	v4 =	vadd.s32 v1, v4;
	_ =	sdelay $0x4  }
0x3b: {  	[hbm4b:s3+s2] =	stream.indirect_vreg.scatter [tilespmem:s26], [sflag:$0x1], $0x80, v4, vm0, $0xb8;
	[tilespmem:$0x10100] =	vst v63  }
0x3c: {  	v3 =	vperm.xlane v3, v2  }
0x3d: {  	[hbm4b:s4+s2] =	stream.indirect_vreg.scatter [tilespmem:s28], [sflag:$0x1], $0x80, v4, vm0, $0xb8;
	[tilespmem:$0x10100] =	vst v63  }
0x3e: {  	v3 =	vadd.s32 v1, v3  }
0x3f: {  	[hbm4b:s5+s2] =	stream.indirect_vreg.scatter [tilespmem:s29], [sflag:$0x1], $0x80, v4, vm0, $0xb8;
	[tilespmem:$0x10100] =	vst v63  }
0x40: {  	_ = 	snop  }
0x41: {  	[hbm4b:s6+s2] =	stream.indirect_vreg.scatter [tilespmem:s30], [sflag:$0x1], $0x80, v4, vm0, $0xb8;
	[tilespmem:$0x10100] =	vst v63  }
0x42: {  	_ = 	snop  }
0x43: {  	[hbm4b:s3+s2] =	stream.indirect_vreg.scatter [tilespmem:s31], [sflag:$0x1], $0x80, v3, vm0, $0xb8;
	[tilespmem:$0x10100] =	vst v63  }
0x44: {  	s0 =	simm.s32 $0x6900  }
0x45: {  	[hbm4b:s4+s2] =	stream.indirect_vreg.scatter [tilespmem:s0], [sflag:$0x1], $0x80, v3, vm0, $0xb8;
	[tilespmem:$0x10100] =	vst v63  }
0x46: {  	s1 =	simm.s32 $0x7100  }
0x47: {  	[hbm4b:s5+s2] =	stream.indirect_vreg.scatter [tilespmem:s1], [sflag:$0x1], $0x80, v3, vm0, $0xb8;
	[tilespmem:$0x10100] =	vst v63  }
0x48: {  	_ = 	snop  }
0x49: {  	[hbm4b:s6+s2] =	stream.indirect_vreg.scatter [tilespmem:s10], [sflag:$0x1], $0x80, v3, vm0, $0xb8;
	[tilespmem:$0x10100] =	vst v63  }
0x4a: {  	v3 =	vld [tilespmem:$0x20];
	_ =	sdelay $0x4  }
0x4b: {  	v58 =	vshll.u32 v3, $0x3  }
0x4c: {  	v3 =	vand.u32 $0x7, v3;
	v4 =	vand.u32 $0xFFFFFFC0, v58  }
0x4d: {  	v3 =	vor.u32 v3, v4  }
0x4e: {  	v4 =	vperm.xlane v3, v0;
	_ =	sdelay $0x1  }
0x4f: {  	v4 =	vadd.s32 v1, v4;
	_ =	sdelay $0x4  }
0x50: {  	[hbm4b:s3+s2] =	stream.indirect_vreg.scatter [tilespmem:s11], [sflag:$0x1], $0x80, v4, vm0, $0xb8;
	[tilespmem:$0x10100] =	vst v63  }
0x51: {  	v3 =	vperm.xlane v3, v2  }
0x52: {  	[hbm4b:s4+s2] =	stream.indirect_vreg.scatter [tilespmem:s12], [sflag:$0x1], $0x80, v4, vm0, $0xb8;
	[tilespmem:$0x10100] =	vst v63  }
0x53: {  	v3 =	vadd.s32 v1, v3  }
0x54: {  	[hbm4b:s5+s2] =	stream.indirect_vreg.scatter [tilespmem:s13], [sflag:$0x1], $0x80, v4, vm0, $0xb8;
	[tilespmem:$0x10100] =	vst v63  }
0x55: {  	_ = 	snop  }
0x56: {  	[hbm4b:s6+s2] =	stream.indirect_vreg.scatter [tilespmem:s14], [sflag:$0x1], $0x80, v4, vm0, $0xb8;
	[tilespmem:$0x10100] =	vst v63  }
0x57: {  	_ = 	snop  }
0x58: {  	[hbm4b:s3+s2] =	stream.indirect_vreg.scatter [tilespmem:s15], [sflag:$0x1], $0x80, v3, vm0, $0xb8;
	[tilespmem:$0x10100] =	vst v63  }
0x59: {  	_ = 	snop  }
0x5a: {  	[hbm4b:s4+s2] =	stream.indirect_vreg.scatter [tilespmem:s16], [sflag:$0x1], $0x80, v3, vm0, $0xb8;
	[tilespmem:$0x10100] =	vst v63  }
0x5b: {  	_ = 	snop  }
0x5c: {  	[hbm4b:s5+s2] =	stream.indirect_vreg.scatter [tilespmem:s17], [sflag:$0x1], $0x80, v3, vm0, $0xb8;
	[tilespmem:$0x10100] =	vst v63  }
0x5d: {  	_ = 	snop  }
0x5e: {  	[hbm4b:s6+s2] =	stream.indirect_vreg.scatter [tilespmem:s8], [sflag:$0x1], $0x80, v3, vm0, $0xb8;
	[tilespmem:$0x10100] =	vst v63  }
0x5f: {  	v3 =	vld [tilespmem:$0x30];
	_ =	sdelay $0x4  }
0x60: {  	v59 =	vshll.u32 v3, $0x3  }
0x61: {  	v3 =	vand.u32 $0x7, v3;
	v4 =	vand.u32 $0xFFFFFFC0, v59  }
0x62: {  	v3 =	vor.u32 v3, v4  }
0x63: {  	v4 =	vperm.xlane v3, v0;
	_ =	sdelay $0x1  }
0x64: {  	v4 =	vadd.s32 v1, v4;
	_ =	sdelay $0x3  }
0x65: {  	s0 =	simm.s32 $0xC100  }
0x66: {  	[hbm4b:s3+s2] =	stream.indirect_vreg.scatter [tilespmem:s0], [sflag:$0x1], $0x80, v4, vm0, $0xb8;
	[tilespmem:$0x10100] =	vst v63  }
0x67: {  	v3 =	vperm.xlane v3, v2;
	s0 =	simm.s32 $0xC900  }
0x68: {  	[hbm4b:s4+s2] =	stream.indirect_vreg.scatter [tilespmem:s0], [sflag:$0x1], $0x80, v4, vm0, $0xb8;
	[tilespmem:$0x10100] =	vst v63  }
0x69: {  	v3 =	vadd.s32 v1, v3;
	s0 =	simm.s32 $0xD100  }
0x6a: {  	[hbm4b:s5+s2] =	stream.indirect_vreg.scatter [tilespmem:s0], [sflag:$0x1], $0x80, v4, vm0, $0xb8;
	[tilespmem:$0x10100] =	vst v63  }
0x6b: {  	s0 =	simm.s32 $0xD900  }
0x6c: {  	[hbm4b:s6+s2] =	stream.indirect_vreg.scatter [tilespmem:s0], [sflag:$0x1], $0x80, v4, vm0, $0xb8;
	[tilespmem:$0x10100] =	vst v63  }
0x6d: {  	s0 =	simm.s32 $0xE100  }
0x6e: {  	[hbm4b:s3+s2] =	stream.indirect_vreg.scatter [tilespmem:s0], [sflag:$0x1], $0x80, v3, vm0, $0xb8;
	[tilespmem:$0x10100] =	vst v63  }
0x6f: {  	s0 =	simm.s32 $0xE900  }
0x70: {  	[hbm4b:s4+s2] =	stream.indirect_vreg.scatter [tilespmem:s0], [sflag:$0x1], $0x80, v3, vm0, $0xb8;
	[tilespmem:$0x10100] =	vst v63  }
0x71: {  	s0 =	simm.s32 $0xF100  }
0x72: {  	[hbm4b:s5+s2] =	stream.indirect_vreg.scatter [tilespmem:s0], [sflag:$0x1], $0x80, v3, vm0, $0xb8;
	[tilespmem:$0x10100] =	vst v63  }
0x73: {  	s0 =	simm.s32 $0xF900  }
0x74: {  	[hbm4b:s6+s2] =	stream.indirect_vreg.scatter [tilespmem:s0], [sflag:$0x1], $0x80, v3, vm0, $0xb8;
	[tilespmem:$0x10100] =	vst v63  }
0x75: {  	v3 =	vld [tilespmem:$0x80];
	_ =	sdelay $0x4  }
0x76: {  	v60 =	vshll.u32 v3, $0x3  }
0x77: {  	v3 =	vand.u32 $0x7, v3;
	v4 =	vand.u32 $0xFFFFFFC0, v60  }
0x78: {  	v3 =	vor.u32 v3, v4  }
0x79: {  	v4 =	vperm.xlane v3, v0;
	_ =	sdelay $0x1  }
0x7a: {  	v4 =	vadd.s32 v1, v4;
	_ =	sdelay $0x4  }
0x7b: {  	[hbm4b:s3+s2] =	stream.indirect_vreg.scatter [tilespmem:s18], [sflag:$0x1], $0x80, v4, vm0, $0xb8;
	[tilespmem:$0x10100] =	vst v63  }
0x7c: {  	v3 =	vperm.xlane v3, v2  }
0x7d: {  	[hbm4b:s4+s2] =	stream.indirect_vreg.scatter [tilespmem:s19], [sflag:$0x1], $0x80, v4, vm0, $0xb8;
	[tilespmem:$0x10100] =	vst v63  }
0x7e: {  	v3 =	vadd.s32 v1, v3  }
0x7f: {  	[hbm4b:s5+s2] =	stream.indirect_vreg.scatter [tilespmem:s20], [sflag:$0x1], $0x80, v4, vm0, $0xb8;
	[tilespmem:$0x10100] =	vst v63  }
0x80: {  	_ = 	snop  }
0x81: {  	[hbm4b:s6+s2] =	stream.indirect_vreg.scatter [tilespmem:s21], [sflag:$0x1], $0x80, v4, vm0, $0xb8;
	[tilespmem:$0x10100] =	vst v63  }
0x82: {  	_ = 	snop  }
0x83: {  	[hbm4b:s3+s2] =	stream.indirect_vreg.scatter [tilespmem:s22], [sflag:$0x1], $0x80, v3, vm0, $0xb8;
	[tilespmem:$0x10100] =	vst v63  }
0x84: {  	_ = 	snop  }
0x85: {  	[hbm4b:s4+s2] =	stream.indirect_vreg.scatter [tilespmem:s23], [sflag:$0x1], $0x80, v3, vm0, $0xb8;
	[tilespmem:$0x10100] =	vst v63  }
0x86: {  	_ = 	snop  }
0x87: {  	[hbm4b:s5+s2] =	stream.indirect_vreg.scatter [tilespmem:s24], [sflag:$0x1], $0x80, v3, vm0, $0xb8;
	[tilespmem:$0x10100] =	vst v63  }
0x88: {  	_ = 	snop  }
0x89: {  	[hbm4b:s6+s2] =	stream.indirect_vreg.scatter [tilespmem:s25], [sflag:$0x1], $0x80, v3, vm0, $0xb8;
	[tilespmem:$0x10100] =	vst v63  }
0x8a: {  	v3 =	vld [tilespmem:$0x90];
	_ =	sdelay $0x4  }
0x8b: {  	v61 =	vshll.u32 v3, $0x3  }
0x8c: {  	v3 =	vand.u32 $0x7, v3;
	v4 =	vand.u32 $0xFFFFFFC0, v61  }
0x8d: {  	v3 =	vor.u32 v3, v4  }
0x8e: {  	v4 =	vperm.xlane v3, v0;
	_ =	sdelay $0x1  }
0x8f: {  	v4 =	vadd.s32 v1, v4;
	_ =	sdelay $0x4  }
0x90: {  	[hbm4b:s3+s2] =	stream.indirect_vreg.scatter [tilespmem:s26], [sflag:$0x1], $0x80, v4, vm0, $0xb8;
	[tilespmem:$0x10100] =	vst v63  }
0x91: {  	v3 =	vperm.xlane v3, v2  }
0x92: {  	[hbm4b:s4+s2] =	stream.indirect_vreg.scatter [tilespmem:s28], [sflag:$0x1], $0x80, v4, vm0, $0xb8;
	[tilespmem:$0x10100] =	vst v63  }
0x93: {  	v3 =	vadd.s32 v1, v3  }
0x94: {  	[hbm4b:s5+s2] =	stream.indirect_vreg.scatter [tilespmem:s29], [sflag:$0x1], $0x80, v4, vm0, $0xb8;
	[tilespmem:$0x10100] =	vst v63  }
0x95: {  	_ = 	snop  }
0x96: {  	[hbm4b:s6+s2] =	stream.indirect_vreg.scatter [tilespmem:s30], [sflag:$0x1], $0x80, v4, vm0, $0xb8;
	[tilespmem:$0x10100] =	vst v63  }
0x97: {  	_ = 	snop  }
0x98: {  	[hbm4b:s3+s2] =	stream.indirect_vreg.scatter [tilespmem:s31], [sflag:$0x1], $0x80, v3, vm0, $0xb8;
	[tilespmem:$0x10100] =	vst v63  }
0x99: {  	s20 =	simm.s32 $0x6900  }
0x9a: {  	[hbm4b:s4+s2] =	stream.indirect_vreg.scatter [tilespmem:s20], [sflag:$0x1], $0x80, v3, vm0, $0xb8;
	[tilespmem:$0x10100] =	vst v63  }
0x9b: {  	_ = 	snop  }
0x9c: {  	[hbm4b:s5+s2] =	stream.indirect_vreg.scatter [tilespmem:s1], [sflag:$0x1], $0x80, v3, vm0, $0xb8;
	[tilespmem:$0x10100] =	vst v63  }
0x9d: {  	_ = 	snop  }
0x9e: {  	[hbm4b:s6+s2] =	stream.indirect_vreg.scatter [tilespmem:s10], [sflag:$0x1], $0x80, v3, vm0, $0xb8;
	[tilespmem:$0x10100] =	vst v63  }
0x9f: {  	v3 =	vld [tilespmem:$0xA0];
	_ =	sdelay $0x4  }
0xa0: {  	v62 =	vshll.u32 v3, $0x3  }
0xa1: {  	v3 =	vand.u32 $0x7, v3;
	v4 =	vand.u32 $0xFFFFFFC0, v62  }
0xa2: {  	v3 =	vor.u32 v3, v4  }
0xa3: {  	v4 =	vperm.xlane v3, v0;
	_ =	sdelay $0x1  }
0xa4: {  	v4 =	vadd.s32 v1, v4;
	_ =	sdelay $0x4  }
0xa5: {  	[hbm4b:s3+s2] =	stream.indirect_vreg.scatter [tilespmem:s11], [sflag:$0x1], $0x80, v4, vm0, $0xb8;
	[tilespmem:$0x10100] =	vst v63  }
0xa6: {  	v3 =	vperm.xlane v3, v2  }
0xa7: {  	[hbm4b:s4+s2] =	stream.indirect_vreg.scatter [tilespmem:s12], [sflag:$0x1], $0x80, v4, vm0, $0xb8;
	[tilespmem:$0x10100] =	vst v63  }
0xa8: {  	v3 =	vadd.s32 v1, v3  }
0xa9: {  	[hbm4b:s5+s2] =	stream.indirect_vreg.scatter [tilespmem:s13], [sflag:$0x1], $0x80, v4, vm0, $0xb8;
	[tilespmem:$0x10100] =	vst v63  }
0xaa: {  	_ = 	snop  }
0xab: {  	[hbm4b:s6+s2] =	stream.indirect_vreg.scatter [tilespmem:s14], [sflag:$0x1], $0x80, v4, vm0, $0xb8;
	[tilespmem:$0x10100] =	vst v63  }
0xac: {  	_ = 	snop  }
0xad: {  	[hbm4b:s3+s2] =	stream.indirect_vreg.scatter [tilespmem:s15], [sflag:$0x1], $0x80, v3, vm0, $0xb8;
	[tilespmem:$0x10100] =	vst v63  }
0xae: {  	_ = 	snop  }
0xaf: {  	[hbm4b:s4+s2] =	stream.indirect_vreg.scatter [tilespmem:s16], [sflag:$0x1], $0x80, v3, vm0, $0xb8;
	[tilespmem:$0x10100] =	vst v63  }
0xb0: {  	_ = 	snop  }
0xb1: {  	[hbm4b:s5+s2] =	stream.indirect_vreg.scatter [tilespmem:s17], [sflag:$0x1], $0x80, v3, vm0, $0xb8;
	[tilespmem:$0x10100] =	vst v63  }
0xb2: {  	_ = 	snop  }
0xb3: {  	[hbm4b:s6+s2] =	stream.indirect_vreg.scatter [tilespmem:s8], [sflag:$0x1], $0x80, v3, vm0, $0xb8;
	[tilespmem:$0x10100] =	vst v63  }
0xb4: {  	v3 =	vld [tilespmem:$0xB0];
	_ =	sdelay $0x4  }
0xb5: {  	v63 =	vshll.u32 v3, $0x3  }
0xb6: {  	v3 =	vand.u32 $0x7, v3;
	v4 =	vand.u32 $0xFFFFFFC0, v63  }
0xb7: {  	v3 =	vor.u32 v3, v4  }
0xb8: {  	v4 =	vperm.xlane v3, v0;
	_ =	sdelay $0x1  }
0xb9: {  	v4 =	vadd.s32 v1, v4;
	_ =	sdelay $0x3  }
0xba: {  	s19 =	simm.s32 $0xC100  }
0xbb: {  	[hbm4b:s3+s2] =	stream.indirect_vreg.scatter [tilespmem:s19], [sflag:$0x1], $0x80, v4, vm0, $0xb8;
	[tilespmem:$0x10100] =	vst v63  }
0xbc: {  	s20 =	simm.s32 $0xC900;
	v3 =	vperm.xlane v3, v2  }
0xbd: {  	[hbm4b:s4+s2] =	stream.indirect_vreg.scatter [tilespmem:s20], [sflag:$0x1], $0x80, v4, vm0, $0xb8;
	[tilespmem:$0x10100] =	vst v63  }
0xbe: {  	s18 =	simm.s32 $0xD100;
	v3 =	vadd.s32 v1, v3  }
0xbf: {  	[hbm4b:s5+s2] =	stream.indirect_vreg.scatter [tilespmem:s18], [sflag:$0x1], $0x80, v4, vm0, $0xb8;
	[tilespmem:$0x10100] =	vst v63  }
0xc0: {  	s19 =	simm.s32 $0xD900  }
0xc1: {  	[hbm4b:s6+s2] =	stream.indirect_vreg.scatter [tilespmem:s19], [sflag:$0x1], $0x80, v4, vm0, $0xb8;
	[tilespmem:$0x10100] =	vst v63  }
0xc2: {  	s20 =	simm.s32 $0xE100  }
0xc3: {  	[hbm4b:s3+s2] =	stream.indirect_vreg.scatter [tilespmem:s20], [sflag:$0x1], $0x80, v3, vm0, $0xb8;
	[tilespmem:$0x10100] =	vst v63  }
0xc4: {  	s18 =	simm.s32 $0xE900  }
0xc5: {  	[hbm4b:s4+s2] =	stream.indirect_vreg.scatter [tilespmem:s18], [sflag:$0x1], $0x80, v3, vm0, $0xb8;
	[tilespmem:$0x10100] =	vst v63  }
0xc6: {  	s19 =	simm.s32 $0xF100  }
0xc7: {  	[hbm4b:s5+s2] =	stream.indirect_vreg.scatter [tilespmem:s19], [sflag:$0x1], $0x80, v3, vm0, $0xb8;
	[tilespmem:$0x10100] =	vst v63  }
0xc8: {  	s20 =	simm.s32 $0x1  }
0xc9: {  	[hbm4b:s6+s2] =	stream.indirect_vreg.scatter [tilespmem:s0], [sflag:$0x1], $0x80, v3, vm0, $0xb8;
	[tilespmem:$0x10100] =	vst v63  }
0xca: {  	p0 =	sne.s32 s7, $0x1;
	_ =	swait.ge [sflag:s20], $0x10000  }
.Ltmp0:
0xcb: {  	[sflag:s20] =	ssyncset.done $0x0;
	(pc) =	sbr.rel @p0 .LBB2_1-.Ltmp0, $4  }
0xcc: {  	[sflag:s20] =	ssyncadd.s32 $0xFFFF0000  }
0xcd: {  	_ =	swait.ge [sflag:s20], $0x10000  }
0xce: {  	[sflag:s20] =	ssyncset.done $0x0  }
0xcf: {  	s7 =	sadd.s32 $0xFFFFFFFF, s7;
	[sflag:s20] =	ssyncadd.s32 $0xFFFF0000  }
0xd0: {  	_ =	sfence.sel $0x180000  }
0xd1: {  	[bflag:$0x0] =	sbarrier.arrive $0xFFFF  }
0xd2: {  	_ =	strace $0x90000047  }
0xd3: {  	s0 =	stileid.u32;
	[bflag:$0x2] =	sbarrier.arrive $0xFFFF  }
0xd4: {  	p0 =	sne.s32 s0, $0x0;
	s0 =	rddreg [dreg:$0x2]  }
0xd5: {  	s0 =	sadd.s32 @!p0 $0x100000, s0  }
0xd6: {  	[sflag:s0] =	ssyncadd.tile.s32 @!p0 $0x1;
	_ =	shalt  }
.Lfunc_end2:
_tile_overlayer_lowered:
.L_overlay_start_2:
0xd7: {  	(tag) =	ssettag $0x2  }
0xd8: {  	s0 =	rddreg [dreg:$0x0];
	s2 =	stileid.u32  }
0xd9: {  	s1 =	rddreg [dreg:$0x1];
	p0 =	sne.s32 s2, $0x0  }
0xda: {  	s3 =	rddreg [dreg:$0x2];
	[bflag:$0x3] =	sbarrier.arrive $0xFFFF;
	s2 =	simm.s32 @!p0 $0x1C02  }
0xdb: {  	[timem:s3], [sflag:s2] =	dma.local @!p0 [hbm:s0], s1  }
0xdc: {  	s0 =	simm.s32 @!p0 $0x2  }
0xdd: {  	_ =	swait.ge @!p0 [sflag:s0], s1  }
0xde: {  	s1 =	ssub.s32 @!p0 $0x0, s1;
	[sflag:s0] =	ssyncset.done @!p0 $0x0  }
0xdf: {  	[sflag:s0] =	ssyncadd.s32 @!p0 s1  }
0xe0: {  	[bflag:$0x3] =	sbarrier.arrive $0xFFFF  }
0xe1: {  	_ =	shalt  }

</sc_bundles>
